<compile_context>
chip_gen: v7x
topology: tpu7x:2x2x1
jax: 0.10.2.dev20260603
libtpu: 0.0.44.dev20260713+nightly
codegen_flags: <defaults>
</compile_context>

<pallas_src>
import functools

import jax
import jax.numpy as jnp
from jax import lax
from jax.experimental import pallas as pl
from jax.experimental.pallas import tpu as pltpu
from jax.experimental.pallas import tpu_sc as plsc

B = 16384
V = 89
D = 64
L = 16
NC = 2
NS = 16
NW = NC * NS
BPW = B // NW

_mesh = plsc.VectorSubcoreMesh(core_axis_name="c", subcore_axis_name="s")


@functools.partial(
    pl.kernel,
    out_type=jax.ShapeDtypeStruct((D, B), jnp.float32),
    mesh=_mesh,
    compiler_params=pltpu.CompilerParams(needs_layout_passes=False),
    scratch_types=[
        pltpu.VMEM((BPW,), jnp.int32),
        pltpu.VMEM((D * V,), jnp.float32),
        pltpu.VMEM((D, BPW), jnp.float32),
        pltpu.SemaphoreType.DMA,
        pltpu.SemaphoreType.DMA,
    ],
)
def _emb_transpose(x_hbm, table_hbm, out_hbm, idx_v, tab_v, out_v, in_sem, out_sem):
    wid = lax.axis_index("s") * NC + lax.axis_index("c")
    base = wid * BPW
    idx_dma = pltpu.async_copy(x_hbm.at[pl.ds(base, BPW)], idx_v, in_sem)
    tab_dma = pltpu.async_copy(table_hbm, tab_v, in_sem)
    idx_dma.wait()
    tab_dma.wait()

    @plsc.parallel_loop(0, BPW, L)
    def group(b):
        xv = idx_v[pl.ds(b, L)]
        for d in range(D):
            out_v[d, pl.ds(b, L)] = plsc.load_gather(tab_v, [xv + (d * V)])

    pltpu.async_copy(out_v, out_hbm.at[:, pl.ds(base, BPW)], out_sem).wait()


def kernel(x, table):
    return _emb_transpose(x.astype(jnp.int32), table.T.reshape(D * V))

# --- scband reference (transcript-rebuilt; emitter-appended) ---
"""Pipeline reference for scband-prev-action-emb-8572754722853 (READ-ONLY COPY).

The authoritative reference and input builder live on the scoring server;
editing this copy changes nothing except your own understanding.
"""

import jax, jax.numpy as jnp
import numpy as np


def setup_inputs(seed: int = 0) -> dict:
    key = jax.random.key(seed)
    k1, k2 = jax.random.split(key)
    x = jax.random.randint(k1, (16384,), 0, 89)
    table = jax.random.normal(k2, (89, 64), dtype=jnp.float32)
    return {"x": x, "table": table}


def reference(x, table):
    # nn.Embedding lookup: gather rows of the table by index
    emb = jnp.take(table, x, axis=0)  # [B, embed_dim]
    # torch.t on a 2D tensor -> transpose
    out = emb.T  # [embed_dim, B]
    # Original forward returns (out, None); the None carries no data, return the array
    return out

if __name__ == "__main__":
    import jax
    _d = setup_inputs()
    print(jax.jit(kernel)(*tuple(_d.values())))

</pallas_src>

<mosaic_0001>
#map = affine_map<(d0, d1) -> (0)>
#map1 = affine_map<(d0, d1) -> (0, 0)>
module attributes {stable_mosaic.version = 14 : i64} {
  func.func @_emb_transpose(%arg0: i32, %arg1: i32, %arg2: memref<16384xi32, #tpu.memory_space<hbm>>, %arg3: memref<5696xf32, #tpu.memory_space<hbm>>, %arg4: memref<64x16384xf32, #tpu.memory_space<hbm>>, %arg5: memref<512xi32, #tpu.memory_space<vmem>>, %arg6: memref<5696xf32, #tpu.memory_space<vmem>>, %arg7: memref<64x512xf32, #tpu.memory_space<vmem>>, %arg8: memref<!tpu.dma_semaphore, #tpu.memory_space<semaphore_mem>>, %arg9: memref<!tpu.dma_semaphore, #tpu.memory_space<semaphore_mem>>) attributes {dimension_semantics = [#tpu.dimension_semantics<core_parallel>, #tpu.dimension_semantics<subcore_parallel>], iteration_bounds = array<i64: 2, 16>, scalar_prefetch = 0 : i64, scratch_operands = 5 : i64, tpu.core_type = #tpu.core_type<sc_vector_subcore>, window_params = [{transform_indices = #map}, {transform_indices = #map}, {transform_indices = #map1}]} {
    %mul3A = arith.constant 2 : i32
    %mul3A_0 = arith.muli %arg1, %mul3A : i32
    %add3A = arith.addi %mul3A_0, %arg0 : i32
    %mul3A_1 = arith.constant 512 : i32
    %mul3A_2 = arith.muli %add3A, %mul3A_1 : i32
    %dma_start3A = tpu.memref_slice %arg2[%mul3A_2] : memref<16384xi32, #tpu.memory_space<hbm>> -> memref<512xi32, #tpu.memory_space<hbm>>
    %dma_start3A_3 = tpu.memref_slice %arg2[%mul3A_2] : memref<16384xi32, #tpu.memory_space<hbm>> -> memref<512xi32, #tpu.memory_space<hbm>>
    tpu.enqueue_dma source(%dma_start3A_3 : memref<512xi32, #tpu.memory_space<hbm>>) target(%arg5 : memref<512xi32, #tpu.memory_space<vmem>>) target_semaphore(%arg8 : memref<!tpu.dma_semaphore, #tpu.memory_space<semaphore_mem>>)
    tpu.enqueue_dma source(%arg3 : memref<5696xf32, #tpu.memory_space<hbm>>) target(%arg6 : memref<5696xf32, #tpu.memory_space<vmem>>) target_semaphore(%arg8 : memref<!tpu.dma_semaphore, #tpu.memory_space<semaphore_mem>>)
    %dma_wait3A = tpu.memref_slice %arg2[%mul3A_2] : memref<16384xi32, #tpu.memory_space<hbm>> -> memref<512xi32, #tpu.memory_space<hbm>>
    %dma_wait3A_4 = tpu.memref_slice %arg2[%mul3A_2] : memref<16384xi32, #tpu.memory_space<hbm>> -> memref<512xi32, #tpu.memory_space<hbm>>
    tpu.wait_dma2 semaphore(%arg8 : memref<!tpu.dma_semaphore, #tpu.memory_space<semaphore_mem>>) src(%dma_wait3A_4 : memref<512xi32, #tpu.memory_space<hbm>>) dst(%arg5 : memref<512xi32, #tpu.memory_space<vmem>>)
    tpu.wait_dma2 semaphore(%arg8 : memref<!tpu.dma_semaphore, #tpu.memory_space<semaphore_mem>>) src(%arg3 : memref<5696xf32, #tpu.memory_space<hbm>>) dst(%arg6 : memref<5696xf32, #tpu.memory_space<vmem>>)
    %parallel_loop3A = arith.constant 0 : i32
    %parallel_loop3A_5 = arith.constant 512 : i32
    %parallel_loop3A_6 = arith.constant 16 : i32
    scf.for %parallel_loop3A_15 = %parallel_loop3A to %parallel_loop3A_5 step %parallel_loop3A_6  : i32 {
      %parallel_loop3A_16 = arith.index_cast %parallel_loop3A_15 : i32 to index
      %parallel_loop3A_17 = tpu.vector_load %arg5[%parallel_loop3A_16] {strides = array<i32>} : memref<512xi32, #tpu.memory_space<vmem>>, vector<16xi32>,
      %parallel_loop3A_18 = arith.constant 0 : i32
      %parallel_loop3A_19 = vector.broadcast %parallel_loop3A_18 : i32 to vector<16xi32>
      %parallel_loop3A_20 = arith.addi %parallel_loop3A_17, %parallel_loop3A_19 : vector<16xi32>
      %parallel_loop3A_21 = tpu.vector_load_idx %arg6[%parallel_loop3A_20] : memref<5696xf32, #tpu.memory_space<vmem>>[vector<16xi32>], vector<16xf32>,
      %parallel_loop3A_22 = arith.constant 0 : i32
      %parallel_loop3A_23 = arith.index_cast %parallel_loop3A_22 : i32 to index
      %parallel_loop3A_24 = arith.index_cast %parallel_loop3A_15 : i32 to index
      %parallel_loop3A_25 = tpu.vector_load %arg7[%parallel_loop3A_23, %parallel_loop3A_24] {strides = array<i32>} : memref<64x512xf32, #tpu.memory_space<vmem>>, vector<16xf32>,
      tpu.vector_store %arg7[%parallel_loop3A_23, %parallel_loop3A_24], %parallel_loop3A_21 {strides = array<i32>} : memref<64x512xf32, #tpu.memory_space<vmem>>, vector<16xf32>,
      %parallel_loop3A_26 = arith.constant 89 : i32
      %parallel_loop3A_27 = vector.broadcast %parallel_loop3A_26 : i32 to vector<16xi32>
      %parallel_loop3A_28 = arith.addi %parallel_loop3A_17, %parallel_loop3A_27 : vector<16xi32>
      %parallel_loop3A_29 = tpu.vector_load_idx %arg6[%parallel_loop3A_28] : memref<5696xf32, #tpu.memory_space<vmem>>[vector<16xi32>], vector<16xf32>,
      %parallel_loop3A_30 = arith.constant 1 : i32
      %parallel_loop3A_31 = arith.index_cast %parallel_loop3A_30 : i32 to index
      %parallel_loop3A_32 = arith.index_cast %parallel_loop3A_15 : i32 to index
      %parallel_loop3A_33 = tpu.vector_load %arg7[%parallel_loop3A_31, %parallel_loop3A_32] {strides = array<i32>} : memref<64x512xf32, #tpu.memory_space<vmem>>, vector<16xf32>,
      tpu.vector_store %arg7[%parallel_loop3A_31, %parallel_loop3A_32], %parallel_loop3A_29 {strides = array<i32>} : memref<64x512xf32, #tpu.memory_space<vmem>>, vector<16xf32>,
      %parallel_loop3A_34 = arith.constant 178 : i32
      %parallel_loop3A_35 = vector.broadcast %parallel_loop3A_34 : i32 to vector<16xi32>
      %parallel_loop3A_36 = arith.addi %parallel_loop3A_17, %parallel_loop3A_35 : vector<16xi32>
      %parallel_loop3A_37 = tpu.vector_load_idx %arg6[%parallel_loop3A_36] : memref<5696xf32, #tpu.memory_space<vmem>>[vector<16xi32>], vector<16xf32>,
      %parallel_loop3A_38 = arith.constant 2 : i32
      %parallel_loop3A_39 = arith.index_cast %parallel_loop3A_38 : i32 to index
      %parallel_loop3A_40 = arith.index_cast %parallel_loop3A_15 : i32 to index
      %parallel_loop3A_41 = tpu.vector_load %arg7[%parallel_loop3A_39, %parallel_loop3A_40] {strides = array<i32>} : memref<64x512xf32, #tpu.memory_space<vmem>>, vector<16xf32>,
      tpu.vector_store %arg7[%parallel_loop3A_39, %parallel_loop3A_40], %parallel_loop3A_37 {strides = array<i32>} : memref<64x512xf32, #tpu.memory_space<vmem>>, vector<16xf32>,
      %parallel_loop3A_42 = arith.constant 267 : i32
      %parallel_loop3A_43 = vector.broadcast %parallel_loop3A_42 : i32 to vector<16xi32>
      %parallel_loop3A_44 = arith.addi %parallel_loop3A_17, %parallel_loop3A_43 : vector<16xi32>
      %parallel_loop3A_45 = tpu.vector_load_idx %arg6[%parallel_loop3A_44] : memref<5696xf32, #tpu.memory_space<vmem>>[vector<16xi32>], vector<16xf32>,
      %parallel_loop3A_46 = arith.constant 3 : i32
      %parallel_loop3A_47 = arith.index_cast %parallel_loop3A_46 : i32 to index
      %parallel_loop3A_48 = arith.index_cast %parallel_loop3A_15 : i32 to index
      %parallel_loop3A_49 = tpu.vector_load %arg7[%parallel_loop3A_47, %parallel_loop3A_48] {strides = array<i32>} : memref<64x512xf32, #tpu.memory_space<vmem>>, vector<16xf32>,
      tpu.vector_store %arg7[%parallel_loop3A_47, %parallel_loop3A_48], %parallel_loop3A_45 {strides = array<i32>} : memref<64x512xf32, #tpu.memory_space<vmem>>, vector<16xf32>,
      %parallel_loop3A_50 = arith.constant 356 : i32
      %parallel_loop3A_51 = vector.broadcast %parallel_loop3A_50 : i32 to vector<16xi32>
      %parallel_loop3A_52 = arith.addi %parallel_loop3A_17, %parallel_loop3A_51 : vector<16xi32>
      %parallel_loop3A_53 = tpu.vector_load_idx %arg6[%parallel_loop3A_52] : memref<5696xf32, #tpu.memory_space<vmem>>[vector<16xi32>], vector<16xf32>,
      %parallel_loop3A_54 = arith.constant 4 : i32
      %parallel_loop3A_55 = arith.index_cast %parallel_loop3A_54 : i32 to index
      %parallel_loop3A_56 = arith.index_cast %parallel_loop3A_15 : i32 to index
      %parallel_loop3A_57 = tpu.vector_load %arg7[%parallel_loop3A_55, %parallel_loop3A_56] {strides = array<i32>} : memref<64x512xf32, #tpu.memory_space<vmem>>, vector<16xf32>,
      tpu.vector_store %arg7[%parallel_loop3A_55, %parallel_loop3A_56], %parallel_loop3A_53 {strides = array<i32>} : memref<64x512xf32, #tpu.memory_space<vmem>>, vector<16xf32>,
      %parallel_loop3A_58 = arith.constant 445 : i32
      %parallel_loop3A_59 = vector.broadcast %parallel_loop3A_58 : i32 to vector<16xi32>
      %parallel_loop3A_60 = arith.addi %parallel_loop3A_17, %parallel_loop3A_59 : vector<16xi32>
      %parallel_loop3A_61 = tpu.vector_load_idx %arg6[%parallel_loop3A_60] : memref<5696xf32, #tpu.memory_space<vmem>>[vector<16xi32>], vector<16xf32>,
      %parallel_loop3A_62 = arith.constant 5 : i32
      %parallel_loop3A_63 = arith.index_cast %parallel_loop3A_62 : i32 to index
      %parallel_loop3A_64 = arith.index_cast %parallel_loop3A_15 : i32 to index
      %parallel_loop3A_65 = tpu.vector_load %arg7[%parallel_loop3A_63, %parallel_loop3A_64] {strides = array<i32>} : memref<64x512xf32, #tpu.memory_space<vmem>>, vector<16xf32>,
      tpu.vector_store %arg7[%parallel_loop3A_63, %parallel_loop3A_64], %parallel_loop3A_61 {strides = array<i32>} : memref<64x512xf32, #tpu.memory_space<vmem>>, vector<16xf32>,
      %parallel_loop3A_66 = arith.constant 534 : i32
      %parallel_loop3A_67 = vector.broadcast %parallel_loop3A_66 : i32 to vector<16xi32>
      %parallel_loop3A_68 = arith.addi %parallel_loop3A_17, %parallel_loop3A_67 : vector<16xi32>
      %parallel_loop3A_69 = tpu.vector_load_idx %arg6[%parallel_loop3A_68] : memref<5696xf32, #tpu.memory_space<vmem>>[vector<16xi32>], vector<16xf32>,
      %parallel_loop3A_70 = arith.constant 6 : i32
      %parallel_loop3A_71 = arith.index_cast %parallel_loop3A_70 : i32 to index
      %parallel_loop3A_72 = arith.index_cast %parallel_loop3A_15 : i32 to index
      %parallel_loop3A_73 = tpu.vector_load %arg7[%parallel_loop3A_71, %parallel_loop3A_72] {strides = array<i32>} : memref<64x512xf32, #tpu.memory_space<vmem>>, vector<16xf32>,
      tpu.vector_store %arg7[%parallel_loop3A_71, %parallel_loop3A_72], %parallel_loop3A_69 {strides = array<i32>} : memref<64x512xf32, #tpu.memory_space<vmem>>, vector<16xf32>,
      %parallel_loop3A_74 = arith.constant 623 : i32
      %parallel_loop3A_75 = vector.broadcast %parallel_loop3A_74 : i32 to vector<16xi32>
      %parallel_loop3A_76 = arith.addi %parallel_loop3A_17, %parallel_loop3A_75 : vector<16xi32>
      %parallel_loop3A_77 = tpu.vector_load_idx %arg6[%parallel_loop3A_76] : memref<5696xf32, #tpu.memory_space<vmem>>[vector<16xi32>], vector<16xf32>,
      %parallel_loop3A_78 = arith.constant 7 : i32
      %parallel_loop3A_79 = arith.index_cast %parallel_loop3A_78 : i32 to index
      %parallel_loop3A_80 = arith.index_cast %parallel_loop3A_15 : i32 to index
      %parallel_loop3A_81 = tpu.vector_load %arg7[%parallel_loop3A_79, %parallel_loop3A_80] {strides = array<i32>} : memref<64x512xf32, #tpu.memory_space<vmem>>, vector<16xf32>,
      tpu.vector_store %arg7[%parallel_loop3A_79, %parallel_loop3A_80], %parallel_loop3A_77 {strides = array<i32>} : memref<64x512xf32, #tpu.memory_space<vmem>>, vector<16xf32>,
      %parallel_loop3A_82 = arith.constant 712 : i32
      %parallel_loop3A_83 = vector.broadcast %parallel_loop3A_82 : i32 to vector<16xi32>
      %parallel_loop3A_84 = arith.addi %parallel_loop3A_17, %parallel_loop3A_83 : vector<16xi32>
      %parallel_loop3A_85 = tpu.vector_load_idx %arg6[%parallel_loop3A_84] : memref<5696xf32, #tpu.memory_space<vmem>>[vector<16xi32>], vector<16xf32>,
      %parallel_loop3A_86 = arith.constant 8 : i32
      %parallel_loop3A_87 = arith.index_cast %parallel_loop3A_86 : i32 to index
      %parallel_loop3A_88 = arith.index_cast %parallel_loop3A_15 : i32 to index
      %parallel_loop3A_89 = tpu.vector_load %arg7[%parallel_loop3A_87, %parallel_loop3A_88] {strides = array<i32>} : memref<64x512xf32, #tpu.memory_space<vmem>>, vector<16xf32>,
      tpu.vector_store %arg7[%parallel_loop3A_87, %parallel_loop3A_88], %parallel_loop3A_85 {strides = array<i32>} : memref<64x512xf32, #tpu.memory_space<vmem>>, vector<16xf32>,
      %parallel_loop3A_90 = arith.constant 801 : i32
      %parallel_loop3A_91 = vector.broadcast %parallel_loop3A_90 : i32 to vector<16xi32>
      %parallel_loop3A_92 = arith.addi %parallel_loop3A_17, %parallel_loop3A_91 : vector<16xi32>
      %parallel_loop3A_93 = tpu.vector_load_idx %arg6[%parallel_loop3A_92] : memref<5696xf32, #tpu.memory_space<vmem>>[vector<16xi32>], vector<16xf32>,
      %parallel_loop3A_94 = arith.constant 9 : i32
      %parallel_loop3A_95 = arith.index_cast %parallel_loop3A_94 : i32 to index
      %parallel_loop3A_96 = arith.index_cast %parallel_loop3A_15 : i32 to index
      %parallel_loop3A_97 = tpu.vector_load %arg7[%parallel_loop3A_95, %parallel_loop3A_96] {strides = array<i32>} : memref<64x512xf32, #tpu.memory_space<vmem>>, vector<16xf32>,
      tpu.vector_store %arg7[%parallel_loop3A_95, %parallel_loop3A_96], %parallel_loop3A_93 {strides = array<i32>} : memref<64x512xf32, #tpu.memory_space<vmem>>, vector<16xf32>,
      %parallel_loop3A_98 = arith.constant 890 : i32
      %parallel_loop3A_99 = vector.broadcast %parallel_loop3A_98 : i32 to vector<16xi32>
      %parallel_loop3A_100 = arith.addi %parallel_loop3A_17, %parallel_loop3A_99 : vector<16xi32>
      %parallel_loop3A_101 = tpu.vector_load_idx %arg6[%parallel_loop3A_100] : memref<5696xf32, #tpu.memory_space<vmem>>[vector<16xi32>], vector<16xf32>,
      %parallel_loop3A_102 = arith.constant 10 : i32
      %parallel_loop3A_103 = arith.index_cast %parallel_loop3A_102 : i32 to index
      %parallel_loop3A_104 = arith.index_cast %parallel_loop3A_15 : i32 to index
      %parallel_loop3A_105 = tpu.vector_load %arg7[%parallel_loop3A_103, %parallel_loop3A_104] {strides = array<i32>} : memref<64x512xf32, #tpu.memory_space<vmem>>, vector<16xf32>,
      tpu.vector_store %arg7[%parallel_loop3A_103, %parallel_loop3A_104], %parallel_loop3A_101 {strides = array<i32>} : memref<64x512xf32, #tpu.memory_space<vmem>>, vector<16xf32>,
      %parallel_loop3A_106 = arith.constant 979 : i32
      %parallel_loop3A_107 = vector.broadcast %parallel_loop3A_106 : i32 to vector<16xi32>
      %parallel_loop3A_108 = arith.addi %parallel_loop3A_17, %parallel_loop3A_107 : vector<16xi32>
      %parallel_loop3A_109 = tpu.vector_load_idx %arg6[%parallel_loop3A_108] : memref<5696xf32, #tpu.memory_space<vmem>>[vector<16xi32>], vector<16xf32>,
      %parallel_loop3A_110 = arith.constant 11 : i32
      %parallel_loop3A_111 = arith.index_cast %parallel_loop3A_110 : i32 to index
      %parallel_loop3A_112 = arith.index_cast %parallel_loop3A_15 : i32 to index
      %parallel_loop3A_113 = tpu.vector_load %arg7[%parallel_loop3A_111, %parallel_loop3A_112] {strides = array<i32>} : memref<64x512xf32, #tpu.memory_space<vmem>>, vector<16xf32>,
      tpu.vector_store %arg7[%parallel_loop3A_111, %parallel_loop3A_112], %parallel_loop3A_109 {strides = array<i32>} : memref<64x512xf32, #tpu.memory_space<vmem>>, vector<16xf32>,
      %parallel_loop3A_114 = arith.constant 1068 : i32
      %parallel_loop3A_115 = vector.broadcast %parallel_loop3A_114 : i32 to vector<16xi32>
      %parallel_loop3A_116 = arith.addi %parallel_loop3A_17, %parallel_loop3A_115 : vector<16xi32>
      %parallel_loop3A_117 = tpu.vector_load_idx %arg6[%parallel_loop3A_116] : memref<5696xf32, #tpu.memory_space<vmem>>[vector<16xi32>], vector<16xf32>,
      %parallel_loop3A_118 = arith.constant 12 : i32
      %parallel_loop3A_119 = arith.index_cast %parallel_loop3A_118 : i32 to index
      %parallel_loop3A_120 = arith.index_cast %parallel_loop3A_15 : i32 to index
      %parallel_loop3A_121 = tpu.vector_load %arg7[%parallel_loop3A_119, %parallel_loop3A_120] {strides = array<i32>} : memref<64x512xf32, #tpu.memory_space<vmem>>, vector<16xf32>,
      tpu.vector_store %arg7[%parallel_loop3A_119, %parallel_loop3A_120], %parallel_loop3A_117 {strides = array<i32>} : memref<64x512xf32, #tpu.memory_space<vmem>>, vector<16xf32>,
      %parallel_loop3A_122 = arith.constant 1157 : i32
      %parallel_loop3A_123 = vector.broadcast %parallel_loop3A_122 : i32 to vector<16xi32>
      %parallel_loop3A_124 = arith.addi %parallel_loop3A_17, %parallel_loop3A_123 : vector<16xi32>
      %parallel_loop3A_125 = tpu.vector_load_idx %arg6[%parallel_loop3A_124] : memref<5696xf32, #tpu.memory_space<vmem>>[vector<16xi32>], vector<16xf32>,
      %parallel_loop3A_126 = arith.constant 13 : i32
      %parallel_loop3A_127 = arith.index_cast %parallel_loop3A_126 : i32 to index
      %parallel_loop3A_128 = arith.index_cast %parallel_loop3A_15 : i32 to index
      %parallel_loop3A_129 = tpu.vector_load %arg7[%parallel_loop3A_127, %parallel_loop3A_128] {strides = array<i32>} : memref<64x512xf32, #tpu.memory_space<vmem>>, vector<16xf32>,
      tpu.vector_store %arg7[%parallel_loop3A_127, %parallel_loop3A_128], %parallel_loop3A_125 {strides = array<i32>} : memref<64x512xf32, #tpu.memory_space<vmem>>, vector<16xf32>,
      %parallel_loop3A_130 = arith.constant 1246 : i32
      %parallel_loop3A_131 = vector.broadcast %parallel_loop3A_130 : i32 to vector<16xi32>
      %parallel_loop3A_132 = arith.addi %parallel_loop3A_17, %parallel_loop3A_131 : vector<16xi32>
      %parallel_loop3A_133 = tpu.vector_load_idx %arg6[%parallel_loop3A_132] : memref<5696xf32, #tpu.memory_space<vmem>>[vector<16xi32>], vector<16xf32>,
      %parallel_loop3A_134 = arith.constant 14 : i32
      %parallel_loop3A_135 = arith.index_cast %parallel_loop3A_134 : i32 to index
      %parallel_loop3A_136 = arith.index_cast %parallel_loop3A_15 : i32 to index
      %parallel_loop3A_137 = tpu.vector_load %arg7[%parallel_loop3A_135, %parallel_loop3A_136] {strides = array<i32>} : memref<64x512xf32, #tpu.memory_space<vmem>>, vector<16xf32>,
      tpu.vector_store %arg7[%parallel_loop3A_135, %parallel_loop3A_136], %parallel_loop3A_133 {strides = array<i32>} : memref<64x512xf32, #tpu.memory_space<vmem>>, vector<16xf32>,
      %parallel_loop3A_138 = arith.constant 1335 : i32
      %parallel_loop3A_139 = vector.broadcast %parallel_loop3A_138 : i32 to vector<16xi32>
      %parallel_loop3A_140 = arith.addi %parallel_loop3A_17, %parallel_loop3A_139 : vector<16xi32>
      %parallel_loop3A_141 = tpu.vector_load_idx %arg6[%parallel_loop3A_140] : memref<5696xf32, #tpu.memory_space<vmem>>[vector<16xi32>], vector<16xf32>,
      %parallel_loop3A_142 = arith.constant 15 : i32
      %parallel_loop3A_143 = arith.index_cast %parallel_loop3A_142 : i32 to index
      %parallel_loop3A_144 = arith.index_cast %parallel_loop3A_15 : i32 to index
      %parallel_loop3A_145 = tpu.vector_load %arg7[%parallel_loop3A_143, %parallel_loop3A_144] {strides = array<i32>} : memref<64x512xf32, #tpu.memory_space<vmem>>, vector<16xf32>,
      tpu.vector_store %arg7[%parallel_loop3A_143, %parallel_loop3A_144], %parallel_loop3A_141 {strides = array<i32>} : memref<64x512xf32, #tpu.memory_space<vmem>>, vector<16xf32>,
      %parallel_loop3A_146 = arith.constant 1424 : i32
      %parallel_loop3A_147 = vector.broadcast %parallel_loop3A_146 : i32 to vector<16xi32>
      %parallel_loop3A_148 = arith.addi %parallel_loop3A_17, %parallel_loop3A_147 : vector<16xi32>
      %parallel_loop3A_149 = tpu.vector_load_idx %arg6[%parallel_loop3A_148] : memref<5696xf32, #tpu.memory_space<vmem>>[vector<16xi32>], vector<16xf32>,
      %parallel_loop3A_150 = arith.constant 16 : i32
      %parallel_loop3A_151 = arith.index_cast %parallel_loop3A_150 : i32 to index
      %parallel_loop3A_152 = arith.index_cast %parallel_loop3A_15 : i32 to index
      %parallel_loop3A_153 = tpu.vector_load %arg7[%parallel_loop3A_151, %parallel_loop3A_152] {strides = array<i32>} : memref<64x512xf32, #tpu.memory_space<vmem>>, vector<16xf32>,
      tpu.vector_store %arg7[%parallel_loop3A_151, %parallel_loop3A_152], %parallel_loop3A_149 {strides = array<i32>} : memref<64x512xf32, #tpu.memory_space<vmem>>, vector<16xf32>,
      %parallel_loop3A_154 = arith.constant 1513 : i32
      %parallel_loop3A_155 = vector.broadcast %parallel_loop3A_154 : i32 to vector<16xi32>
      %parallel_loop3A_156 = arith.addi %parallel_loop3A_17, %parallel_loop3A_155 : vector<16xi32>
      %parallel_loop3A_157 = tpu.vector_load_idx %arg6[%parallel_loop3A_156] : memref<5696xf32, #tpu.memory_space<vmem>>[vector<16xi32>], vector<16xf32>,
      %parallel_loop3A_158 = arith.constant 17 : i32
      %parallel_loop3A_159 = arith.index_cast %parallel_loop3A_158 : i32 to index
      %parallel_loop3A_160 = arith.index_cast %parallel_loop3A_15 : i32 to index
      %parallel_loop3A_161 = tpu.vector_load %arg7[%parallel_loop3A_159, %parallel_loop3A_160] {strides = array<i32>} : memref<64x512xf32, #tpu.memory_space<vmem>>, vector<16xf32>,
      tpu.vector_store %arg7[%parallel_loop3A_159, %parallel_loop3A_160], %parallel_loop3A_157 {strides = array<i32>} : memref<64x512xf32, #tpu.memory_space<vmem>>, vector<16xf32>,
      %parallel_loop3A_162 = arith.constant 1602 : i32
      %parallel_loop3A_163 = vector.broadcast %parallel_loop3A_162 : i32 to vector<16xi32>
      %parallel_loop3A_164 = arith.addi %parallel_loop3A_17, %parallel_loop3A_163 : vector<16xi32>
      %parallel_loop3A_165 = tpu.vector_load_idx %arg6[%parallel_loop3A_164] : memref<5696xf32, #tpu.memory_space<vmem>>[vector<16xi32>], vector<16xf32>,
      %parallel_loop3A_166 = arith.constant 18 : i32
      %parallel_loop3A_167 = arith.index_cast %parallel_loop3A_166 : i32 to index
      %parallel_loop3A_168 = arith.index_cast %parallel_loop3A_15 : i32 to index
      %parallel_loop3A_169 = tpu.vector_load %arg7[%parallel_loop3A_167, %parallel_loop3A_168] {strides = array<i32>} : memref<64x512xf32, #tpu.memory_space<vmem>>, vector<16xf32>,
      tpu.vector_store %arg7[%parallel_loop3A_167, %parallel_loop3A_168], %parallel_loop3A_165 {strides = array<i32>} : memref<64x512xf32, #tpu.memory_space<vmem>>, vector<16xf32>,
      %parallel_loop3A_170 = arith.constant 1691 : i32
      %parallel_loop3A_171 = vector.broadcast %parallel_loop3A_170 : i32 to vector<16xi32>
      %parallel_loop3A_172 = arith.addi %parallel_loop3A_17, %parallel_loop3A_171 : vector<16xi32>
      %parallel_loop3A_173 = tpu.vector_load_idx %arg6[%parallel_loop3A_172] : memref<5696xf32, #tpu.memory_space<vmem>>[vector<16xi32>], vector<16xf32>,
      %parallel_loop3A_174 = arith.constant 19 : i32
      %parallel_loop3A_175 = arith.index_cast %parallel_loop3A_174 : i32 to index
      %parallel_loop3A_176 = arith.index_cast %parallel_loop3A_15 : i32 to index
      %parallel_loop3A_177 = tpu.vector_load %arg7[%parallel_loop3A_175, %parallel_loop3A_176] {strides = array<i32>} : memref<64x512xf32, #tpu.memory_space<vmem>>, vector<16xf32>,
      tpu.vector_store %arg7[%parallel_loop3A_175, %parallel_loop3A_176], %parallel_loop3A_173 {strides = array<i32>} : memref<64x512xf32, #tpu.memory_space<vmem>>, vector<16xf32>,
      %parallel_loop3A_178 = arith.constant 1780 : i32
      %parallel_loop3A_179 = vector.broadcast %parallel_loop3A_178 : i32 to vector<16xi32>
      %parallel_loop3A_180 = arith.addi %parallel_loop3A_17, %parallel_loop3A_179 : vector<16xi32>
      %parallel_loop3A_181 = tpu.vector_load_idx %arg6[%parallel_loop3A_180] : memref<5696xf32, #tpu.memory_space<vmem>>[vector<16xi32>], vector<16xf32>,
      %parallel_loop3A_182 = arith.constant 20 : i32
      %parallel_loop3A_183 = arith.index_cast %parallel_loop3A_182 : i32 to index
      %parallel_loop3A_184 = arith.index_cast %parallel_loop3A_15 : i32 to index
      %parallel_loop3A_185 = tpu.vector_load %arg7[%parallel_loop3A_183, %parallel_loop3A_184] {strides = array<i32>} : memref<64x512xf32, #tpu.memory_space<vmem>>, vector<16xf32>,
      tpu.vector_store %arg7[%parallel_loop3A_183, %parallel_loop3A_184], %parallel_loop3A_181 {strides = array<i32>} : memref<64x512xf32, #tpu.memory_space<vmem>>, vector<16xf32>,
      %parallel_loop3A_186 = arith.constant 1869 : i32
      %parallel_loop3A_187 = vector.broadcast %parallel_loop3A_186 : i32 to vector<16xi32>
      %parallel_loop3A_188 = arith.addi %parallel_loop3A_17, %parallel_loop3A_187 : vector<16xi32>
      %parallel_loop3A_189 = tpu.vector_load_idx %arg6[%parallel_loop3A_188] : memref<5696xf32, #tpu.memory_space<vmem>>[vector<16xi32>], vector<16xf32>,
      %parallel_loop3A_190 = arith.constant 21 : i32
      %parallel_loop3A_191 = arith.index_cast %parallel_loop3A_190 : i32 to index
      %parallel_loop3A_192 = arith.index_cast %parallel_loop3A_15 : i32 to index
      %parallel_loop3A_193 = tpu.vector_load %arg7[%parallel_loop3A_191, %parallel_loop3A_192] {strides = array<i32>} : memref<64x512xf32, #tpu.memory_space<vmem>>, vector<16xf32>,
      tpu.vector_store %arg7[%parallel_loop3A_191, %parallel_loop3A_192], %parallel_loop3A_189 {strides = array<i32>} : memref<64x512xf32, #tpu.memory_space<vmem>>, vector<16xf32>,
      %parallel_loop3A_194 = arith.constant 1958 : i32
      %parallel_loop3A_195 = vector.broadcast %parallel_loop3A_194 : i32 to vector<16xi32>
      %parallel_loop3A_196 = arith.addi %parallel_loop3A_17, %parallel_loop3A_195 : vector<16xi32>
      %parallel_loop3A_197 = tpu.vector_load_idx %arg6[%parallel_loop3A_196] : memref<5696xf32, #tpu.memory_space<vmem>>[vector<16xi32>], vector<16xf32>,
      %parallel_loop3A_198 = arith.constant 22 : i32
      %parallel_loop3A_199 = arith.index_cast %parallel_loop3A_198 : i32 to index
      %parallel_loop3A_200 = arith.index_cast %parallel_loop3A_15 : i32 to index
      %parallel_loop3A_201 = tpu.vector_load %arg7[%parallel_loop3A_199, %parallel_loop3A_200] {strides = array<i32>} : memref<64x512xf32, #tpu.memory_space<vmem>>, vector<16xf32>,
      tpu.vector_store %arg7[%parallel_loop3A_199, %parallel_loop3A_200], %parallel_loop3A_197 {strides = array<i32>} : memref<64x512xf32, #tpu.memory_space<vmem>>, vector<16xf32>,
      %parallel_loop3A_202 = arith.constant 2047 : i32
      %parallel_loop3A_203 = vector.broadcast %parallel_loop3A_202 : i32 to vector<16xi32>
      %parallel_loop3A_204 = arith.addi %parallel_loop3A_17, %parallel_loop3A_203 : vector<16xi32>
      %parallel_loop3A_205 = tpu.vector_load_idx %arg6[%parallel_loop3A_204] : memref<5696xf32, #tpu.memory_space<vmem>>[vector<16xi32>], vector<16xf32>,
      %parallel_loop3A_206 = arith.constant 23 : i32
      %parallel_loop3A_207 = arith.index_cast %parallel_loop3A_206 : i32 to index
      %parallel_loop3A_208 = arith.index_cast %parallel_loop3A_15 : i32 to index
      %parallel_loop3A_209 = tpu.vector_load %arg7[%parallel_loop3A_207, %parallel_loop3A_208] {strides = array<i32>} : memref<64x512xf32, #tpu.memory_space<vmem>>, vector<16xf32>,
      tpu.vector_store %arg7[%parallel_loop3A_207, %parallel_loop3A_208], %parallel_loop3A_205 {strides = array<i32>} : memref<64x512xf32, #tpu.memory_space<vmem>>, vector<16xf32>,
      %parallel_loop3A_210 = arith.constant 2136 : i32
      %parallel_loop3A_211 = vector.broadcast %parallel_loop3A_210 : i32 to vector<16xi32>
      %parallel_loop3A_212 = arith.addi %parallel_loop3A_17, %parallel_loop3A_211 : vector<16xi32>
      %parallel_loop3A_213 = tpu.vector_load_idx %arg6[%parallel_loop3A_212] : memref<5696xf32, #tpu.memory_space<vmem>>[vector<16xi32>], vector<16xf32>,
      %parallel_loop3A_214 = arith.constant 24 : i32
      %parallel_loop3A_215 = arith.index_cast %parallel_loop3A_214 : i32 to index
      %parallel_loop3A_216 = arith.index_cast %parallel_loop3A_15 : i32 to index
      %parallel_loop3A_217 = tpu.vector_load %arg7[%parallel_loop3A_215, %parallel_loop3A_216] {strides = array<i32>} : memref<64x512xf32, #tpu.memory_space<vmem>>, vector<16xf32>,
      tpu.vector_store %arg7[%parallel_loop3A_215, %parallel_loop3A_216], %parallel_loop3A_213 {strides = array<i32>} : memref<64x512xf32, #tpu.memory_space<vmem>>, vector<16xf32>,
      %parallel_loop3A_218 = arith.constant 2225 : i32
      %parallel_loop3A_219 = vector.broadcast %parallel_loop3A_218 : i32 to vector<16xi32>
      %parallel_loop3A_220 = arith.addi %parallel_loop3A_17, %parallel_loop3A_219 : vector<16xi32>
      %parallel_loop3A_221 = tpu.vector_load_idx %arg6[%parallel_loop3A_220] : memref<5696xf32, #tpu.memory_space<vmem>>[vector<16xi32>], vector<16xf32>,
      %parallel_loop3A_222 = arith.constant 25 : i32
      %parallel_loop3A_223 = arith.index_cast %parallel_loop3A_222 : i32 to index
      %parallel_loop3A_224 = arith.index_cast %parallel_loop3A_15 : i32 to index
      %parallel_loop3A_225 = tpu.vector_load %arg7[%parallel_loop3A_223, %parallel_loop3A_224] {strides = array<i32>} : memref<64x512xf32, #tpu.memory_space<vmem>>, vector<16xf32>,
      tpu.vector_store %arg7[%parallel_loop3A_223, %parallel_loop3A_224], %parallel_loop3A_221 {strides = array<i32>} : memref<64x512xf32, #tpu.memory_space<vmem>>, vector<16xf32>,
      %parallel_loop3A_226 = arith.constant 2314 : i32
      %parallel_loop3A_227 = vector.broadcast %parallel_loop3A_226 : i32 to vector<16xi32>
      %parallel_loop3A_228 = arith.addi %parallel_loop3A_17, %parallel_loop3A_227 : vector<16xi32>
      %parallel_loop3A_229 = tpu.vector_load_idx %arg6[%parallel_loop3A_228] : memref<5696xf32, #tpu.memory_space<vmem>>[vector<16xi32>], vector<16xf32>,
      %parallel_loop3A_230 = arith.constant 26 : i32
      %parallel_loop3A_231 = arith.index_cast %parallel_loop3A_230 : i32 to index
      %parallel_loop3A_232 = arith.index_cast %parallel_loop3A_15 : i32 to index
      %parallel_loop3A_233 = tpu.vector_load %arg7[%parallel_loop3A_231, %parallel_loop3A_232] {strides = array<i32>} : memref<64x512xf32, #tpu.memory_space<vmem>>, vector<16xf32>,
      tpu.vector_store %arg7[%parallel_loop3A_231, %parallel_loop3A_232], %parallel_loop3A_229 {strides = array<i32>} : memref<64x512xf32, #tpu.memory_space<vmem>>, vector<16xf32>,
      %parallel_loop3A_234 = arith.constant 2403 : i32
      %parallel_loop3A_235 = vector.broadcast %parallel_loop3A_234 : i32 to vector<16xi32>
      %parallel_loop3A_236 = arith.addi %parallel_loop3A_17, %parallel_loop3A_235 : vector<16xi32>
      %parallel_loop3A_237 = tpu.vector_load_idx %arg6[%parallel_loop3A_236] : memref<5696xf32, #tpu.memory_space<vmem>>[vector<16xi32>], vector<16xf32>,
      %parallel_loop3A_238 = arith.constant 27 : i32
      %parallel_loop3A_239 = arith.index_cast %parallel_loop3A_238 : i32 to index
      %parallel_loop3A_240 = arith.index_cast %parallel_loop3A_15 : i32 to index
      %parallel_loop3A_241 = tpu.vector_load %arg7[%parallel_loop3A_239, %parallel_loop3A_240] {strides = array<i32>} : memref<64x512xf32, #tpu.memory_space<vmem>>, vector<16xf32>,
      tpu.vector_store %arg7[%parallel_loop3A_239, %parallel_loop3A_240], %parallel_loop3A_237 {strides = array<i32>} : memref<64x512xf32, #tpu.memory_space<vmem>>, vector<16xf32>,
      %parallel_loop3A_242 = arith.constant 2492 : i32
      %parallel_loop3A_243 = vector.broadcast %parallel_loop3A_242 : i32 to vector<16xi32>
      %parallel_loop3A_244 = arith.addi %parallel_loop3A_17, %parallel_loop3A_243 : vector<16xi32>
      %parallel_loop3A_245 = tpu.vector_load_idx %arg6[%parallel_loop3A_244] : memref<5696xf32, #tpu.memory_space<vmem>>[vector<16xi32>], vector<16xf32>,
      %parallel_loop3A_246 = arith.constant 28 : i32
      %parallel_loop3A_247 = arith.index_cast %parallel_loop3A_246 : i32 to index
      %parallel_loop3A_248 = arith.index_cast %parallel_loop3A_15 : i32 to index
      %parallel_loop3A_249 = tpu.vector_load %arg7[%parallel_loop3A_247, %parallel_loop3A_248] {strides = array<i32>} : memref<64x512xf32, #tpu.memory_space<vmem>>, vector<16xf32>,
      tpu.vector_store %arg7[%parallel_loop3A_247, %parallel_loop3A_248], %parallel_loop3A_245 {strides = array<i32>} : memref<64x512xf32, #tpu.memory_space<vmem>>, vector<16xf32>,
      %parallel_loop3A_250 = arith.constant 2581 : i32
      %parallel_loop3A_251 = vector.broadcast %parallel_loop3A_250 : i32 to vector<16xi32>
      %parallel_loop3A_252 = arith.addi %parallel_loop3A_17, %parallel_loop3A_251 : vector<16xi32>
      %parallel_loop3A_253 = tpu.vector_load_idx %arg6[%parallel_loop3A_252] : memref<5696xf32, #tpu.memory_space<vmem>>[vector<16xi32>], vector<16xf32>,
      %parallel_loop3A_254 = arith.constant 29 : i32
      %parallel_loop3A_255 = arith.index_cast %parallel_loop3A_254 : i32 to index
      %parallel_loop3A_256 = arith.index_cast %parallel_loop3A_15 : i32 to index
      %parallel_loop3A_257 = tpu.vector_load %arg7[%parallel_loop3A_255, %parallel_loop3A_256] {strides = array<i32>} : memref<64x512xf32, #tpu.memory_space<vmem>>, vector<16xf32>,
      tpu.vector_store %arg7[%parallel_loop3A_255, %parallel_loop3A_256], %parallel_loop3A_253 {strides = array<i32>} : memref<64x512xf32, #tpu.memory_space<vmem>>, vector<16xf32>,
      %parallel_loop3A_258 = arith.constant 2670 : i32
      %parallel_loop3A_259 = vector.broadcast %parallel_loop3A_258 : i32 to vector<16xi32>
      %parallel_loop3A_260 = arith.addi %parallel_loop3A_17, %parallel_loop3A_259 : vector<16xi32>
      %parallel_loop3A_261 = tpu.vector_load_idx %arg6[%parallel_loop3A_260] : memref<5696xf32, #tpu.memory_space<vmem>>[vector<16xi32>], vector<16xf32>,
      %parallel_loop3A_262 = arith.constant 30 : i32
      %parallel_loop3A_263 = arith.index_cast %parallel_loop3A_262 : i32 to index
      %parallel_loop3A_264 = arith.index_cast %parallel_loop3A_15 : i32 to index
      %parallel_loop3A_265 = tpu.vector_load %arg7[%parallel_loop3A_263, %parallel_loop3A_264] {strides = array<i32>} : memref<64x512xf32, #tpu.memory_space<vmem>>, vector<16xf32>,
      tpu.vector_store %arg7[%parallel_loop3A_263, %parallel_loop3A_264], %parallel_loop3A_261 {strides = array<i32>} : memref<64x512xf32, #tpu.memory_space<vmem>>, vector<16xf32>,
      %parallel_loop3A_266 = arith.constant 2759 : i32
      %parallel_loop3A_267 = vector.broadcast %parallel_loop3A_266 : i32 to vector<16xi32>
      %parallel_loop3A_268 = arith.addi %parallel_loop3A_17, %parallel_loop3A_267 : vector<16xi32>
      %parallel_loop3A_269 = tpu.vector_load_idx %arg6[%parallel_loop3A_268] : memref<5696xf32, #tpu.memory_space<vmem>>[vector<16xi32>], vector<16xf32>,
      %parallel_loop3A_270 = arith.constant 31 : i32
      %parallel_loop3A_271 = arith.index_cast %parallel_loop3A_270 : i32 to index
      %parallel_loop3A_272 = arith.index_cast %parallel_loop3A_15 : i32 to index
      %parallel_loop3A_273 = tpu.vector_load %arg7[%parallel_loop3A_271, %parallel_loop3A_272] {strides = array<i32>} : memref<64x512xf32, #tpu.memory_space<vmem>>, vector<16xf32>,
      tpu.vector_store %arg7[%parallel_loop3A_271, %parallel_loop3A_272], %parallel_loop3A_269 {strides = array<i32>} : memref<64x512xf32, #tpu.memory_space<vmem>>, vector<16xf32>,
      %parallel_loop3A_274 = arith.constant 2848 : i32
      %parallel_loop3A_275 = vector.broadcast %parallel_loop3A_274 : i32 to vector<16xi32>
      %parallel_loop3A_276 = arith.addi %parallel_loop3A_17, %parallel_loop3A_275 : vector<16xi32>
      %parallel_loop3A_277 = tpu.vector_load_idx %arg6[%parallel_loop3A_276] : memref<5696xf32, #tpu.memory_space<vmem>>[vector<16xi32>], vector<16xf32>,
      %parallel_loop3A_278 = arith.constant 32 : i32
      %parallel_loop3A_279 = arith.index_cast %parallel_loop3A_278 : i32 to index
      %parallel_loop3A_280 = arith.index_cast %parallel_loop3A_15 : i32 to index
      %parallel_loop3A_281 = tpu.vector_load %arg7[%parallel_loop3A_279, %parallel_loop3A_280] {strides = array<i32>} : memref<64x512xf32, #tpu.memory_space<vmem>>, vector<16xf32>,
      tpu.vector_store %arg7[%parallel_loop3A_279, %parallel_loop3A_280], %parallel_loop3A_277 {strides = array<i32>} : memref<64x512xf32, #tpu.memory_space<vmem>>, vector<16xf32>,
      %parallel_loop3A_282 = arith.constant 2937 : i32
      %parallel_loop3A_283 = vector.broadcast %parallel_loop3A_282 : i32 to vector<16xi32>
      %parallel_loop3A_284 = arith.addi %parallel_loop3A_17, %parallel_loop3A_283 : vector<16xi32>
      %parallel_loop3A_285 = tpu.vector_load_idx %arg6[%parallel_loop3A_284] : memref<5696xf32, #tpu.memory_space<vmem>>[vector<16xi32>], vector<16xf32>,
      %parallel_loop3A_286 = arith.constant 33 : i32
      %parallel_loop3A_287 = arith.index_cast %parallel_loop3A_286 : i32 to index
      %parallel_loop3A_288 = arith.index_cast %parallel_loop3A_15 : i32 to index
      %parallel_loop3A_289 = tpu.vector_load %arg7[%parallel_loop3A_287, %parallel_loop3A_288] {strides = array<i32>} : memref<64x512xf32, #tpu.memory_space<vmem>>, vector<16xf32>,
      tpu.vector_store %arg7[%parallel_loop3A_287, %parallel_loop3A_288], %parallel_loop3A_285 {strides = array<i32>} : memref<64x512xf32, #tpu.memory_space<vmem>>, vector<16xf32>,
      %parallel_loop3A_290 = arith.constant 3026 : i32
      %parallel_loop3A_291 = vector.broadcast %parallel_loop3A_290 : i32 to vector<16xi32>
      %parallel_loop3A_292 = arith.addi %parallel_loop3A_17, %parallel_loop3A_291 : vector<16xi32>
      %parallel_loop3A_293 = tpu.vector_load_idx %arg6[%parallel_loop3A_292] : memref<5696xf32, #tpu.memory_space<vmem>>[vector<16xi32>], vector<16xf32>,
      %parallel_loop3A_294 = arith.constant 34 : i32
      %parallel_loop3A_295 = arith.index_cast %parallel_loop3A_294 : i32 to index
      %parallel_loop3A_296 = arith.index_cast %parallel_loop3A_15 : i32 to index
      %parallel_loop3A_297 = tpu.vector_load %arg7[%parallel_loop3A_295, %parallel_loop3A_296] {strides = array<i32>} : memref<64x512xf32, #tpu.memory_space<vmem>>, vector<16xf32>,
      tpu.vector_store %arg7[%parallel_loop3A_295, %parallel_loop3A_296], %parallel_loop3A_293 {strides = array<i32>} : memref<64x512xf32, #tpu.memory_space<vmem>>, vector<16xf32>,
      %parallel_loop3A_298 = arith.constant 3115 : i32
      %parallel_loop3A_299 = vector.broadcast %parallel_loop3A_298 : i32 to vector<16xi32>
      %parallel_loop3A_300 = arith.addi %parallel_loop3A_17, %parallel_loop3A_299 : vector<16xi32>
      %parallel_loop3A_301 = tpu.vector_load_idx %arg6[%parallel_loop3A_300] : memref<5696xf32, #tpu.memory_space<vmem>>[vector<16xi32>], vector<16xf32>,
      %parallel_loop3A_302 = arith.constant 35 : i32
      %parallel_loop3A_303 = arith.index_cast %parallel_loop3A_302 : i32 to index
      %parallel_loop3A_304 = arith.index_cast %parallel_loop3A_15 : i32 to index
      %parallel_loop3A_305 = tpu.vector_load %arg7[%parallel_loop3A_303, %parallel_loop3A_304] {strides = array<i32>} : memref<64x512xf32, #tpu.memory_space<vmem>>, vector<16xf32>,
      tpu.vector_store %arg7[%parallel_loop3A_303, %parallel_loop3A_304], %parallel_loop3A_301 {strides = array<i32>} : memref<64x512xf32, #tpu.memory_space<vmem>>, vector<16xf32>,
      %parallel_loop3A_306 = arith.constant 3204 : i32
      %parallel_loop3A_307 = vector.broadcast %parallel_loop3A_306 : i32 to vector<16xi32>
      %parallel_loop3A_308 = arith.addi %parallel_loop3A_17, %parallel_loop3A_307 : vector<16xi32>
      %parallel_loop3A_309 = tpu.vector_load_idx %arg6[%parallel_loop3A_308] : memref<5696xf32, #tpu.memory_space<vmem>>[vector<16xi32>], vector<16xf32>,
      %parallel_loop3A_310 = arith.constant 36 : i32
      %parallel_loop3A_311 = arith.index_cast %parallel_loop3A_310 : i32 to index
      %parallel_loop3A_312 = arith.index_cast %parallel_loop3A_15 : i32 to index
      %parallel_loop3A_313 = tpu.vector_load %arg7[%parallel_loop3A_311, %parallel_loop3A_312] {strides = array<i32>} : memref<64x512xf32, #tpu.memory_space<vmem>>, vector<16xf32>,
      tpu.vector_store %arg7[%parallel_loop3A_311, %parallel_loop3A_312], %parallel_loop3A_309 {strides = array<i32>} : memref<64x512xf32, #tpu.memory_space<vmem>>, vector<16xf32>,
      %parallel_loop3A_314 = arith.constant 3293 : i32
      %parallel_loop3A_315 = vector.broadcast %parallel_loop3A_314 : i32 to vector<16xi32>
      %parallel_loop3A_316 = arith.addi %parallel_loop3A_17, %parallel_loop3A_315 : vector<16xi32>
      %parallel_loop3A_317 = tpu.vector_load_idx %arg6[%parallel_loop3A_316] : memref<5696xf32, #tpu.memory_space<vmem>>[vector<16xi32>], vector<16xf32>,
      %parallel_loop3A_318 = arith.constant 37 : i32
      %parallel_loop3A_319 = arith.index_cast %parallel_loop3A_318 : i32 to index
      %parallel_loop3A_320 = arith.index_cast %parallel_loop3A_15 : i32 to index
      %parallel_loop3A_321 = tpu.vector_load %arg7[%parallel_loop3A_319, %parallel_loop3A_320] {strides = array<i32>} : memref<64x512xf32, #tpu.memory_space<vmem>>, vector<16xf32>,
      tpu.vector_store %arg7[%parallel_loop3A_319, %parallel_loop3A_320], %parallel_loop3A_317 {strides = array<i32>} : memref<64x512xf32, #tpu.memory_space<vmem>>, vector<16xf32>,
      %parallel_loop3A_322 = arith.constant 3382 : i32
      %parallel_loop3A_323 = vector.broadcast %parallel_loop3A_322 : i32 to vector<16xi32>
      %parallel_loop3A_324 = arith.addi %parallel_loop3A_17, %parallel_loop3A_323 : vector<16xi32>
      %parallel_loop3A_325 = tpu.vector_load_idx %arg6[%parallel_loop3A_324] : memref<5696xf32, #tpu.memory_space<vmem>>[vector<16xi32>], vector<16xf32>,
      %parallel_loop3A_326 = arith.constant 38 : i32
      %parallel_loop3A_327 = arith.index_cast %parallel_loop3A_326 : i32 to index
      %parallel_loop3A_328 = arith.index_cast %parallel_loop3A_15 : i32 to index
      %parallel_loop3A_329 = tpu.vector_load %arg7[%parallel_loop3A_327, %parallel_loop3A_328] {strides = array<i32>} : memref<64x512xf32, #tpu.memory_space<vmem>>, vector<16xf32>,
      tpu.vector_store %arg7[%parallel_loop3A_327, %parallel_loop3A_328], %parallel_loop3A_325 {strides = array<i32>} : memref<64x512xf32, #tpu.memory_space<vmem>>, vector<16xf32>,
      %parallel_loop3A_330 = arith.constant 3471 : i32
      %parallel_loop3A_331 = vector.broadcast %parallel_loop3A_330 : i32 to vector<16xi32>
      %parallel_loop3A_332 = arith.addi %parallel_loop3A_17, %parallel_loop3A_331 : vector<16xi32>
      %parallel_loop3A_333 = tpu.vector_load_idx %arg6[%parallel_loop3A_332] : memref<5696xf32, #tpu.memory_space<vmem>>[vector<16xi32>], vector<16xf32>,
      %parallel_loop3A_334 = arith.constant 39 : i32
      %parallel_loop3A_335 = arith.index_cast %parallel_loop3A_334 : i32 to index
      %parallel_loop3A_336 = arith.index_cast %parallel_loop3A_15 : i32 to index
      %parallel_loop3A_337 = tpu.vector_load %arg7[%parallel_loop3A_335, %parallel_loop3A_336] {strides = array<i32>} : memref<64x512xf32, #tpu.memory_space<vmem>>, vector<16xf32>,
      tpu.vector_store %arg7[%parallel_loop3A_335, %parallel_loop3A_336], %parallel_loop3A_333 {strides = array<i32>} : memref<64x512xf32, #tpu.memory_space<vmem>>, vector<16xf32>,
      %parallel_loop3A_338 = arith.constant 3560 : i32
      %parallel_loop3A_339 = vector.broadcast %parallel_loop3A_338 : i32 to vector<16xi32>
      %parallel_loop3A_340 = arith.addi %parallel_loop3A_17, %parallel_loop3A_339 : vector<16xi32>
      %parallel_loop3A_341 = tpu.vector_load_idx %arg6[%parallel_loop3A_340] : memref<5696xf32, #tpu.memory_space<vmem>>[vector<16xi32>], vector<16xf32>,
      %parallel_loop3A_342 = arith.constant 40 : i32
      %parallel_loop3A_343 = arith.index_cast %parallel_loop3A_342 : i32 to index
      %parallel_loop3A_344 = arith.index_cast %parallel_loop3A_15 : i32 to index
      %parallel_loop3A_345 = tpu.vector_load %arg7[%parallel_loop3A_343, %parallel_loop3A_344] {strides = array<i32>} : memref<64x512xf32, #tpu.memory_space<vmem>>, vector<16xf32>,
      tpu.vector_store %arg7[%parallel_loop3A_343, %parallel_loop3A_344], %parallel_loop3A_341 {strides = array<i32>} : memref<64x512xf32, #tpu.memory_space<vmem>>, vector<16xf32>,
      %parallel_loop3A_346 = arith.constant 3649 : i32
      %parallel_loop3A_347 = vector.broadcast %parallel_loop3A_346 : i32 to vector<16xi32>
      %parallel_loop3A_348 = arith.addi %parallel_loop3A_17, %parallel_loop3A_347 : vector<16xi32>
      %parallel_loop3A_349 = tpu.vector_load_idx %arg6[%parallel_loop3A_348] : memref<5696xf32, #tpu.memory_space<vmem>>[vector<16xi32>], vector<16xf32>,
      %parallel_loop3A_350 = arith.constant 41 : i32
      %parallel_loop3A_351 = arith.index_cast %parallel_loop3A_350 : i32 to index
      %parallel_loop3A_352 = arith.index_cast %parallel_loop3A_15 : i32 to index
      %parallel_loop3A_353 = tpu.vector_load %arg7[%parallel_loop3A_351, %parallel_loop3A_352] {strides = array<i32>} : memref<64x512xf32, #tpu.memory_space<vmem>>, vector<16xf32>,
      tpu.vector_store %arg7[%parallel_loop3A_351, %parallel_loop3A_352], %parallel_loop3A_349 {strides = array<i32>} : memref<64x512xf32, #tpu.memory_space<vmem>>, vector<16xf32>,
      %parallel_loop3A_354 = arith.constant 3738 : i32
      %parallel_loop3A_355 = vector.broadcast %parallel_loop3A_354 : i32 to vector<16xi32>
      %parallel_loop3A_356 = arith.addi %parallel_loop3A_17, %parallel_loop3A_355 : vector<16xi32>
      %parallel_loop3A_357 = tpu.vector_load_idx %arg6[%parallel_loop3A_356] : memref<5696xf32, #tpu.memory_space<vmem>>[vector<16xi32>], vector<16xf32>,
      %parallel_loop3A_358 = arith.constant 42 : i32
      %parallel_loop3A_359 = arith.index_cast %parallel_loop3A_358 : i32 to index
      %parallel_loop3A_360 = arith.index_cast %parallel_loop3A_15 : i32 to index
      %parallel_loop3A_361 = tpu.vector_load %arg7[%parallel_loop3A_359, %parallel_loop3A_360] {strides = array<i32>} : memref<64x512xf32, #tpu.memory_space<vmem>>, vector<16xf32>,
      tpu.vector_store %arg7[%parallel_loop3A_359, %parallel_loop3A_360], %parallel_loop3A_357 {strides = array<i32>} : memref<64x512xf32, #tpu.memory_space<vmem>>, vector<16xf32>,
      %parallel_loop3A_362 = arith.constant 3827 : i32
      %parallel_loop3A_363 = vector.broadcast %parallel_loop3A_362 : i32 to vector<16xi32>
      %parallel_loop3A_364 = arith.addi %parallel_loop3A_17, %parallel_loop3A_363 : vector<16xi32>
      %parallel_loop3A_365 = tpu.vector_load_idx %arg6[%parallel_loop3A_364] : memref<5696xf32, #tpu.memory_space<vmem>>[vector<16xi32>], vector<16xf32>,
      %parallel_loop3A_366 = arith.constant 43 : i32
      %parallel_loop3A_367 = arith.index_cast %parallel_loop3A_366 : i32 to index
      %parallel_loop3A_368 = arith.index_cast %parallel_loop3A_15 : i32 to index
      %parallel_loop3A_369 = tpu.vector_load %arg7[%parallel_loop3A_367, %parallel_loop3A_368] {strides = array<i32>} : memref<64x512xf32, #tpu.memory_space<vmem>>, vector<16xf32>,
      tpu.vector_store %arg7[%parallel_loop3A_367, %parallel_loop3A_368], %parallel_loop3A_365 {strides = array<i32>} : memref<64x512xf32, #tpu.memory_space<vmem>>, vector<16xf32>,
      %parallel_loop3A_370 = arith.constant 3916 : i32
      %parallel_loop3A_371 = vector.broadcast %parallel_loop3A_370 : i32 to vector<16xi32>
      %parallel_loop3A_372 = arith.addi %parallel_loop3A_17, %parallel_loop3A_371 : vector<16xi32>
      %parallel_loop3A_373 = tpu.vector_load_idx %arg6[%parallel_loop3A_372] : memref<5696xf32, #tpu.memory_space<vmem>>[vector<16xi32>], vector<16xf32>,
      %parallel_loop3A_374 = arith.constant 44 : i32
      %parallel_loop3A_375 = arith.index_cast %parallel_loop3A_374 : i32 to index
      %parallel_loop3A_376 = arith.index_cast %parallel_loop3A_15 : i32 to index
      %parallel_loop3A_377 = tpu.vector_load %arg7[%parallel_loop3A_375, %parallel_loop3A_376] {strides = array<i32>} : memref<64x512xf32, #tpu.memory_space<vmem>>, vector<16xf32>,
      tpu.vector_store %arg7[%parallel_loop3A_375, %parallel_loop3A_376], %parallel_loop3A_373 {strides = array<i32>} : memref<64x512xf32, #tpu.memory_space<vmem>>, vector<16xf32>,
      %parallel_loop3A_378 = arith.constant 4005 : i32
      %parallel_loop3A_379 = vector.broadcast %parallel_loop3A_378 : i32 to vector<16xi32>
      %parallel_loop3A_380 = arith.addi %parallel_loop3A_17, %parallel_loop3A_379 : vector<16xi32>
      %parallel_loop3A_381 = tpu.vector_load_idx %arg6[%parallel_loop3A_380] : memref<5696xf32, #tpu.memory_space<vmem>>[vector<16xi32>], vector<16xf32>,
      %parallel_loop3A_382 = arith.constant 45 : i32
      %parallel_loop3A_383 = arith.index_cast %parallel_loop3A_382 : i32 to index
      %parallel_loop3A_384 = arith.index_cast %parallel_loop3A_15 : i32 to index
      %parallel_loop3A_385 = tpu.vector_load %arg7[%parallel_loop3A_383, %parallel_loop3A_384] {strides = array<i32>} : memref<64x512xf32, #tpu.memory_space<vmem>>, vector<16xf32>,
      tpu.vector_store %arg7[%parallel_loop3A_383, %parallel_loop3A_384], %parallel_loop3A_381 {strides = array<i32>} : memref<64x512xf32, #tpu.memory_space<vmem>>, vector<16xf32>,
      %parallel_loop3A_386 = arith.constant 4094 : i32
      %parallel_loop3A_387 = vector.broadcast %parallel_loop3A_386 : i32 to vector<16xi32>
      %parallel_loop3A_388 = arith.addi %parallel_loop3A_17, %parallel_loop3A_387 : vector<16xi32>
      %parallel_loop3A_389 = tpu.vector_load_idx %arg6[%parallel_loop3A_388] : memref<5696xf32, #tpu.memory_space<vmem>>[vector<16xi32>], vector<16xf32>,
      %parallel_loop3A_390 = arith.constant 46 : i32
      %parallel_loop3A_391 = arith.index_cast %parallel_loop3A_390 : i32 to index
      %parallel_loop3A_392 = arith.index_cast %parallel_loop3A_15 : i32 to index
      %parallel_loop3A_393 = tpu.vector_load %arg7[%parallel_loop3A_391, %parallel_loop3A_392] {strides = array<i32>} : memref<64x512xf32, #tpu.memory_space<vmem>>, vector<16xf32>,
      tpu.vector_store %arg7[%parallel_loop3A_391, %parallel_loop3A_392], %parallel_loop3A_389 {strides = array<i32>} : memref<64x512xf32, #tpu.memory_space<vmem>>, vector<16xf32>,
      %parallel_loop3A_394 = arith.constant 4183 : i32
      %parallel_loop3A_395 = vector.broadcast %parallel_loop3A_394 : i32 to vector<16xi32>
      %parallel_loop3A_396 = arith.addi %parallel_loop3A_17, %parallel_loop3A_395 : vector<16xi32>
      %parallel_loop3A_397 = tpu.vector_load_idx %arg6[%parallel_loop3A_396] : memref<5696xf32, #tpu.memory_space<vmem>>[vector<16xi32>], vector<16xf32>,
      %parallel_loop3A_398 = arith.constant 47 : i32
      %parallel_loop3A_399 = arith.index_cast %parallel_loop3A_398 : i32 to index
      %parallel_loop3A_400 = arith.index_cast %parallel_loop3A_15 : i32 to index
      %parallel_loop3A_401 = tpu.vector_load %arg7[%parallel_loop3A_399, %parallel_loop3A_400] {strides = array<i32>} : memref<64x512xf32, #tpu.memory_space<vmem>>, vector<16xf32>,
      tpu.vector_store %arg7[%parallel_loop3A_399, %parallel_loop3A_400], %parallel_loop3A_397 {strides = array<i32>} : memref<64x512xf32, #tpu.memory_space<vmem>>, vector<16xf32>,
      %parallel_loop3A_402 = arith.constant 4272 : i32
      %parallel_loop3A_403 = vector.broadcast %parallel_loop3A_402 : i32 to vector<16xi32>
      %parallel_loop3A_404 = arith.addi %parallel_loop3A_17, %parallel_loop3A_403 : vector<16xi32>
      %parallel_loop3A_405 = tpu.vector_load_idx %arg6[%parallel_loop3A_404] : memref<5696xf32, #tpu.memory_space<vmem>>[vector<16xi32>], vector<16xf32>,
      %parallel_loop3A_406 = arith.constant 48 : i32
      %parallel_loop3A_407 = arith.index_cast %parallel_loop3A_406 : i32 to index
      %parallel_loop3A_408 = arith.index_cast %parallel_loop3A_15 : i32 to index
      %parallel_loop3A_409 = tpu.vector_load %arg7[%parallel_loop3A_407, %parallel_loop3A_408] {strides = array<i32>} : memref<64x512xf32, #tpu.memory_space<vmem>>, vector<16xf32>,
      tpu.vector_store %arg7[%parallel_loop3A_407, %parallel_loop3A_408], %parallel_loop3A_405 {strides = array<i32>} : memref<64x512xf32, #tpu.memory_space<vmem>>, vector<16xf32>,
      %parallel_loop3A_410 = arith.constant 4361 : i32
      %parallel_loop3A_411 = vector.broadcast %parallel_loop3A_410 : i32 to vector<16xi32>
      %parallel_loop3A_412 = arith.addi %parallel_loop3A_17, %parallel_loop3A_411 : vector<16xi32>
      %parallel_loop3A_413 = tpu.vector_load_idx %arg6[%parallel_loop3A_412] : memref<5696xf32, #tpu.memory_space<vmem>>[vector<16xi32>], vector<16xf32>,
      %parallel_loop3A_414 = arith.constant 49 : i32
      %parallel_loop3A_415 = arith.index_cast %parallel_loop3A_414 : i32 to index
      %parallel_loop3A_416 = arith.index_cast %parallel_loop3A_15 : i32 to index
      %parallel_loop3A_417 = tpu.vector_load %arg7[%parallel_loop3A_415, %parallel_loop3A_416] {strides = array<i32>} : memref<64x512xf32, #tpu.memory_space<vmem>>, vector<16xf32>,
      tpu.vector_store %arg7[%parallel_loop3A_415, %parallel_loop3A_416], %parallel_loop3A_413 {strides = array<i32>} : memref<64x512xf32, #tpu.memory_space<vmem>>, vector<16xf32>,
      %parallel_loop3A_418 = arith.constant 4450 : i32
      %parallel_loop3A_419 = vector.broadcast %parallel_loop3A_418 : i32 to vector<16xi32>
      %parallel_loop3A_420 = arith.addi %parallel_loop3A_17, %parallel_loop3A_419 : vector<16xi32>
      %parallel_loop3A_421 = tpu.vector_load_idx %arg6[%parallel_loop3A_420] : memref<5696xf32, #tpu.memory_space<vmem>>[vector<16xi32>], vector<16xf32>,
      %parallel_loop3A_422 = arith.constant 50 : i32
      %parallel_loop3A_423 = arith.index_cast %parallel_loop3A_422 : i32 to index
      %parallel_loop3A_424 = arith.index_cast %parallel_loop3A_15 : i32 to index
      %parallel_loop3A_425 = tpu.vector_load %arg7[%parallel_loop3A_423, %parallel_loop3A_424] {strides = array<i32>} : memref<64x512xf32, #tpu.memory_space<vmem>>, vector<16xf32>,
      tpu.vector_store %arg7[%parallel_loop3A_423, %parallel_loop3A_424], %parallel_loop3A_421 {strides = array<i32>} : memref<64x512xf32, #tpu.memory_space<vmem>>, vector<16xf32>,
      %parallel_loop3A_426 = arith.constant 4539 : i32
      %parallel_loop3A_427 = vector.broadcast %parallel_loop3A_426 : i32 to vector<16xi32>
      %parallel_loop3A_428 = arith.addi %parallel_loop3A_17, %parallel_loop3A_427 : vector<16xi32>
      %parallel_loop3A_429 = tpu.vector_load_idx %arg6[%parallel_loop3A_428] : memref<5696xf32, #tpu.memory_space<vmem>>[vector<16xi32>], vector<16xf32>,
      %parallel_loop3A_430 = arith.constant 51 : i32
      %parallel_loop3A_431 = arith.index_cast %parallel_loop3A_430 : i32 to index
      %parallel_loop3A_432 = arith.index_cast %parallel_loop3A_15 : i32 to index
      %parallel_loop3A_433 = tpu.vector_load %arg7[%parallel_loop3A_431, %parallel_loop3A_432] {strides = array<i32>} : memref<64x512xf32, #tpu.memory_space<vmem>>, vector<16xf32>,
      tpu.vector_store %arg7[%parallel_loop3A_431, %parallel_loop3A_432], %parallel_loop3A_429 {strides = array<i32>} : memref<64x512xf32, #tpu.memory_space<vmem>>, vector<16xf32>,
      %parallel_loop3A_434 = arith.constant 4628 : i32
      %parallel_loop3A_435 = vector.broadcast %parallel_loop3A_434 : i32 to vector<16xi32>
      %parallel_loop3A_436 = arith.addi %parallel_loop3A_17, %parallel_loop3A_435 : vector<16xi32>
      %parallel_loop3A_437 = tpu.vector_load_idx %arg6[%parallel_loop3A_436] : memref<5696xf32, #tpu.memory_space<vmem>>[vector<16xi32>], vector<16xf32>,
      %parallel_loop3A_438 = arith.constant 52 : i32
      %parallel_loop3A_439 = arith.index_cast %parallel_loop3A_438 : i32 to index
      %parallel_loop3A_440 = arith.index_cast %parallel_loop3A_15 : i32 to index
      %parallel_loop3A_441 = tpu.vector_load %arg7[%parallel_loop3A_439, %parallel_loop3A_440] {strides = array<i32>} : memref<64x512xf32, #tpu.memory_space<vmem>>, vector<16xf32>,
      tpu.vector_store %arg7[%parallel_loop3A_439, %parallel_loop3A_440], %parallel_loop3A_437 {strides = array<i32>} : memref<64x512xf32, #tpu.memory_space<vmem>>, vector<16xf32>,
      %parallel_loop3A_442 = arith.constant 4717 : i32
      %parallel_loop3A_443 = vector.broadcast %parallel_loop3A_442 : i32 to vector<16xi32>
      %parallel_loop3A_444 = arith.addi %parallel_loop3A_17, %parallel_loop3A_443 : vector<16xi32>
      %parallel_loop3A_445 = tpu.vector_load_idx %arg6[%parallel_loop3A_444] : memref<5696xf32, #tpu.memory_space<vmem>>[vector<16xi32>], vector<16xf32>,
      %parallel_loop3A_446 = arith.constant 53 : i32
      %parallel_loop3A_447 = arith.index_cast %parallel_loop3A_446 : i32 to index
      %parallel_loop3A_448 = arith.index_cast %parallel_loop3A_15 : i32 to index
      %parallel_loop3A_449 = tpu.vector_load %arg7[%parallel_loop3A_447, %parallel_loop3A_448] {strides = array<i32>} : memref<64x512xf32, #tpu.memory_space<vmem>>, vector<16xf32>,
      tpu.vector_store %arg7[%parallel_loop3A_447, %parallel_loop3A_448], %parallel_loop3A_445 {strides = array<i32>} : memref<64x512xf32, #tpu.memory_space<vmem>>, vector<16xf32>,
      %parallel_loop3A_450 = arith.constant 4806 : i32
      %parallel_loop3A_451 = vector.broadcast %parallel_loop3A_450 : i32 to vector<16xi32>
      %parallel_loop3A_452 = arith.addi %parallel_loop3A_17, %parallel_loop3A_451 : vector<16xi32>
      %parallel_loop3A_453 = tpu.vector_load_idx %arg6[%parallel_loop3A_452] : memref<5696xf32, #tpu.memory_space<vmem>>[vector<16xi32>], vector<16xf32>,
      %parallel_loop3A_454 = arith.constant 54 : i32
      %parallel_loop3A_455 = arith.index_cast %parallel_loop3A_454 : i32 to index
      %parallel_loop3A_456 = arith.index_cast %parallel_loop3A_15 : i32 to index
      %parallel_loop3A_457 = tpu.vector_load %arg7[%parallel_loop3A_455, %parallel_loop3A_456] {strides = array<i32>} : memref<64x512xf32, #tpu.memory_space<vmem>>, vector<16xf32>,
      tpu.vector_store %arg7[%parallel_loop3A_455, %parallel_loop3A_456], %parallel_loop3A_453 {strides = array<i32>} : memref<64x512xf32, #tpu.memory_space<vmem>>, vector<16xf32>,
      %parallel_loop3A_458 = arith.constant 4895 : i32
      %parallel_loop3A_459 = vector.broadcast %parallel_loop3A_458 : i32 to vector<16xi32>
      %parallel_loop3A_460 = arith.addi %parallel_loop3A_17, %parallel_loop3A_459 : vector<16xi32>
      %parallel_loop3A_461 = tpu.vector_load_idx %arg6[%parallel_loop3A_460] : memref<5696xf32, #tpu.memory_space<vmem>>[vector<16xi32>], vector<16xf32>,
      %parallel_loop3A_462 = arith.constant 55 : i32
      %parallel_loop3A_463 = arith.index_cast %parallel_loop3A_462 : i32 to index
      %parallel_loop3A_464 = arith.index_cast %parallel_loop3A_15 : i32 to index
      %parallel_loop3A_465 = tpu.vector_load %arg7[%parallel_loop3A_463, %parallel_loop3A_464] {strides = array<i32>} : memref<64x512xf32, #tpu.memory_space<vmem>>, vector<16xf32>,
      tpu.vector_store %arg7[%parallel_loop3A_463, %parallel_loop3A_464], %parallel_loop3A_461 {strides = array<i32>} : memref<64x512xf32, #tpu.memory_space<vmem>>, vector<16xf32>,
      %parallel_loop3A_466 = arith.constant 4984 : i32
      %parallel_loop3A_467 = vector.broadcast %parallel_loop3A_466 : i32 to vector<16xi32>
      %parallel_loop3A_468 = arith.addi %parallel_loop3A_17, %parallel_loop3A_467 : vector<16xi32>
      %parallel_loop3A_469 = tpu.vector_load_idx %arg6[%parallel_loop3A_468] : memref<5696xf32, #tpu.memory_space<vmem>>[vector<16xi32>], vector<16xf32>,
      %parallel_loop3A_470 = arith.constant 56 : i32
      %parallel_loop3A_471 = arith.index_cast %parallel_loop3A_470 : i32 to index
      %parallel_loop3A_472 = arith.index_cast %parallel_loop3A_15 : i32 to index
      %parallel_loop3A_473 = tpu.vector_load %arg7[%parallel_loop3A_471, %parallel_loop3A_472] {strides = array<i32>} : memref<64x512xf32, #tpu.memory_space<vmem>>, vector<16xf32>,
      tpu.vector_store %arg7[%parallel_loop3A_471, %parallel_loop3A_472], %parallel_loop3A_469 {strides = array<i32>} : memref<64x512xf32, #tpu.memory_space<vmem>>, vector<16xf32>,
      %parallel_loop3A_474 = arith.constant 5073 : i32
      %parallel_loop3A_475 = vector.broadcast %parallel_loop3A_474 : i32 to vector<16xi32>
      %parallel_loop3A_476 = arith.addi %parallel_loop3A_17, %parallel_loop3A_475 : vector<16xi32>
      %parallel_loop3A_477 = tpu.vector_load_idx %arg6[%parallel_loop3A_476] : memref<5696xf32, #tpu.memory_space<vmem>>[vector<16xi32>], vector<16xf32>,
      %parallel_loop3A_478 = arith.constant 57 : i32
      %parallel_loop3A_479 = arith.index_cast %parallel_loop3A_478 : i32 to index
      %parallel_loop3A_480 = arith.index_cast %parallel_loop3A_15 : i32 to index
      %parallel_loop3A_481 = tpu.vector_load %arg7[%parallel_loop3A_479, %parallel_loop3A_480] {strides = array<i32>} : memref<64x512xf32, #tpu.memory_space<vmem>>, vector<16xf32>,
      tpu.vector_store %arg7[%parallel_loop3A_479, %parallel_loop3A_480], %parallel_loop3A_477 {strides = array<i32>} : memref<64x512xf32, #tpu.memory_space<vmem>>, vector<16xf32>,
      %parallel_loop3A_482 = arith.constant 5162 : i32
      %parallel_loop3A_483 = vector.broadcast %parallel_loop3A_482 : i32 to vector<16xi32>
      %parallel_loop3A_484 = arith.addi %parallel_loop3A_17, %parallel_loop3A_483 : vector<16xi32>
      %parallel_loop3A_485 = tpu.vector_load_idx %arg6[%parallel_loop3A_484] : memref<5696xf32, #tpu.memory_space<vmem>>[vector<16xi32>], vector<16xf32>,
      %parallel_loop3A_486 = arith.constant 58 : i32
      %parallel_loop3A_487 = arith.index_cast %parallel_loop3A_486 : i32 to index
      %parallel_loop3A_488 = arith.index_cast %parallel_loop3A_15 : i32 to index
      %parallel_loop3A_489 = tpu.vector_load %arg7[%parallel_loop3A_487, %parallel_loop3A_488] {strides = array<i32>} : memref<64x512xf32, #tpu.memory_space<vmem>>, vector<16xf32>,
      tpu.vector_store %arg7[%parallel_loop3A_487, %parallel_loop3A_488], %parallel_loop3A_485 {strides = array<i32>} : memref<64x512xf32, #tpu.memory_space<vmem>>, vector<16xf32>,
      %parallel_loop3A_490 = arith.constant 5251 : i32
      %parallel_loop3A_491 = vector.broadcast %parallel_loop3A_490 : i32 to vector<16xi32>
      %parallel_loop3A_492 = arith.addi %parallel_loop3A_17, %parallel_loop3A_491 : vector<16xi32>
      %parallel_loop3A_493 = tpu.vector_load_idx %arg6[%parallel_loop3A_492] : memref<5696xf32, #tpu.memory_space<vmem>>[vector<16xi32>], vector<16xf32>,
      %parallel_loop3A_494 = arith.constant 59 : i32
      %parallel_loop3A_495 = arith.index_cast %parallel_loop3A_494 : i32 to index
      %parallel_loop3A_496 = arith.index_cast %parallel_loop3A_15 : i32 to index
      %parallel_loop3A_497 = tpu.vector_load %arg7[%parallel_loop3A_495, %parallel_loop3A_496] {strides = array<i32>} : memref<64x512xf32, #tpu.memory_space<vmem>>, vector<16xf32>,
      tpu.vector_store %arg7[%parallel_loop3A_495, %parallel_loop3A_496], %parallel_loop3A_493 {strides = array<i32>} : memref<64x512xf32, #tpu.memory_space<vmem>>, vector<16xf32>,
      %parallel_loop3A_498 = arith.constant 5340 : i32
      %parallel_loop3A_499 = vector.broadcast %parallel_loop3A_498 : i32 to vector<16xi32>
      %parallel_loop3A_500 = arith.addi %parallel_loop3A_17, %parallel_loop3A_499 : vector<16xi32>
      %parallel_loop3A_501 = tpu.vector_load_idx %arg6[%parallel_loop3A_500] : memref<5696xf32, #tpu.memory_space<vmem>>[vector<16xi32>], vector<16xf32>,
      %parallel_loop3A_502 = arith.constant 60 : i32
      %parallel_loop3A_503 = arith.index_cast %parallel_loop3A_502 : i32 to index
      %parallel_loop3A_504 = arith.index_cast %parallel_loop3A_15 : i32 to index
      %parallel_loop3A_505 = tpu.vector_load %arg7[%parallel_loop3A_503, %parallel_loop3A_504] {strides = array<i32>} : memref<64x512xf32, #tpu.memory_space<vmem>>, vector<16xf32>,
      tpu.vector_store %arg7[%parallel_loop3A_503, %parallel_loop3A_504], %parallel_loop3A_501 {strides = array<i32>} : memref<64x512xf32, #tpu.memory_space<vmem>>, vector<16xf32>,
      %parallel_loop3A_506 = arith.constant 5429 : i32
      %parallel_loop3A_507 = vector.broadcast %parallel_loop3A_506 : i32 to vector<16xi32>
      %parallel_loop3A_508 = arith.addi %parallel_loop3A_17, %parallel_loop3A_507 : vector<16xi32>
      %parallel_loop3A_509 = tpu.vector_load_idx %arg6[%parallel_loop3A_508] : memref<5696xf32, #tpu.memory_space<vmem>>[vector<16xi32>], vector<16xf32>,
      %parallel_loop3A_510 = arith.constant 61 : i32
      %parallel_loop3A_511 = arith.index_cast %parallel_loop3A_510 : i32 to index
      %parallel_loop3A_512 = arith.index_cast %parallel_loop3A_15 : i32 to index
      %parallel_loop3A_513 = tpu.vector_load %arg7[%parallel_loop3A_511, %parallel_loop3A_512] {strides = array<i32>} : memref<64x512xf32, #tpu.memory_space<vmem>>, vector<16xf32>,
      tpu.vector_store %arg7[%parallel_loop3A_511, %parallel_loop3A_512], %parallel_loop3A_509 {strides = array<i32>} : memref<64x512xf32, #tpu.memory_space<vmem>>, vector<16xf32>,
      %parallel_loop3A_514 = arith.constant 5518 : i32
      %parallel_loop3A_515 = vector.broadcast %parallel_loop3A_514 : i32 to vector<16xi32>
      %parallel_loop3A_516 = arith.addi %parallel_loop3A_17, %parallel_loop3A_515 : vector<16xi32>
      %parallel_loop3A_517 = tpu.vector_load_idx %arg6[%parallel_loop3A_516] : memref<5696xf32, #tpu.memory_space<vmem>>[vector<16xi32>], vector<16xf32>,
      %parallel_loop3A_518 = arith.constant 62 : i32
      %parallel_loop3A_519 = arith.index_cast %parallel_loop3A_518 : i32 to index
      %parallel_loop3A_520 = arith.index_cast %parallel_loop3A_15 : i32 to index
      %parallel_loop3A_521 = tpu.vector_load %arg7[%parallel_loop3A_519, %parallel_loop3A_520] {strides = array<i32>} : memref<64x512xf32, #tpu.memory_space<vmem>>, vector<16xf32>,
      tpu.vector_store %arg7[%parallel_loop3A_519, %parallel_loop3A_520], %parallel_loop3A_517 {strides = array<i32>} : memref<64x512xf32, #tpu.memory_space<vmem>>, vector<16xf32>,
      %parallel_loop3A_522 = arith.constant 5607 : i32
      %parallel_loop3A_523 = vector.broadcast %parallel_loop3A_522 : i32 to vector<16xi32>
      %parallel_loop3A_524 = arith.addi %parallel_loop3A_17, %parallel_loop3A_523 : vector<16xi32>
      %parallel_loop3A_525 = tpu.vector_load_idx %arg6[%parallel_loop3A_524] : memref<5696xf32, #tpu.memory_space<vmem>>[vector<16xi32>], vector<16xf32>,
      %parallel_loop3A_526 = arith.constant 63 : i32
      %parallel_loop3A_527 = arith.index_cast %parallel_loop3A_526 : i32 to index
      %parallel_loop3A_528 = arith.index_cast %parallel_loop3A_15 : i32 to index
      %parallel_loop3A_529 = tpu.vector_load %arg7[%parallel_loop3A_527, %parallel_loop3A_528] {strides = array<i32>} : memref<64x512xf32, #tpu.memory_space<vmem>>, vector<16xf32>,
      tpu.vector_store %arg7[%parallel_loop3A_527, %parallel_loop3A_528], %parallel_loop3A_525 {strides = array<i32>} : memref<64x512xf32, #tpu.memory_space<vmem>>, vector<16xf32>,
    } {sc.loop_unroll_factor = 1 : i64, sc.parallel_access}
    %dma_start3A_7 = arith.constant 0 : i32
    %dma_start3A_8 = tpu.memref_slice %arg4[%dma_start3A_7, %mul3A_2] : memref<64x16384xf32, #tpu.memory_space<hbm>> -> memref<64x512xf32, #tpu.memory_space<hbm>>
    %dma_start3A_9 = arith.constant 0 : i32
    %dma_start3A_10 = tpu.memref_slice %arg4[%dma_start3A_9, %mul3A_2] : memref<64x16384xf32, #tpu.memory_space<hbm>> -> memref<64x512xf32, #tpu.memory_space<hbm>>
    tpu.enqueue_dma source(%arg7 : memref<64x512xf32, #tpu.memory_space<vmem>>) target(%dma_start3A_10 : memref<64x512xf32, #tpu.memory_space<hbm>>) target_semaphore(%arg9 : memref<!tpu.dma_semaphore, #tpu.memory_space<semaphore_mem>>)
    %dma_wait3A_11 = arith.constant 0 : i32
    %dma_wait3A_12 = tpu.memref_slice %arg4[%dma_wait3A_11, %mul3A_2] : memref<64x16384xf32, #tpu.memory_space<hbm>> -> memref<64x512xf32, #tpu.memory_space<hbm>>
    %dma_wait3A_13 = arith.constant 0 : i32
    %dma_wait3A_14 = tpu.memref_slice %arg4[%dma_wait3A_13, %mul3A_2] : memref<64x16384xf32, #tpu.memory_space<hbm>> -> memref<64x512xf32, #tpu.memory_space<hbm>>
    tpu.wait_dma2 semaphore(%arg9 : memref<!tpu.dma_semaphore, #tpu.memory_space<semaphore_mem>>) src(%arg7 : memref<64x512xf32, #tpu.memory_space<vmem>>) dst(%dma_wait3A_14 : memref<64x512xf32, #tpu.memory_space<hbm>>)
    return
  }
}

</mosaic_0001>

<sc_bundles>
// kernel: kernel.3.cloned.1.call-start
scs
__scs_entry_jumppad:
0x0: {  	(pc) =	sbr.rel $0x88, $3  }
0x1: {  	(tag) =	ssettag $0x0;
	lr =	simm.s32 $0x1  }
0x2: {  	[smem:$0x3F9F] =	sst lr;
	_ =	strace $0xD0000000  }
0x3: {  	_ = 	snop  }
0x4: {  	_ = 	snop  }
0x5: {  	_ = 	snop  }
0x6: {  	_ = 	snop  }
0x7: {  	_ = 	snop  }
__scs_overlays_trampoline_lowered:
0x8: {  	[smem:$0x3FAE] =	sst s0  }
0x9: {  	[smem:$0x3FAF] =	sst s1  }
0xa: {  	[smem:$0x3FB0] =	sst s2  }
0xb: {  	[smem:$0x3FB1] =	sst s3  }
0xc: {  	[smem:$0x3FB2] =	sst s4  }
0xd: {  	[smem:$0x3FB3] =	sst s5  }
0xe: {  	[smem:$0x3FB4] =	sst s6  }
0xf: {  	[smem:$0x3FB5] =	sst s7  }
0x10: {  	[smem:$0x3FB6] =	sst s8  }
0x11: {  	[smem:$0x3FB7] =	sst s9;
	s0 =	simm.s32 @!p0 $0x0  }
0x12: {  	s1 =	sld [smem:$0x3F9D];
	s0 =	simm.s32 @p0 $0x1  }
0x13: {  	[smem:$0x3FB8] =	sst s0;
	s0 =	simm.s32 @!p1 $0x0  }
0x14: {  	s2 =	sld [smem:$0x3F9C];
	s0 =	simm.s32 @p1 $0x1  }
0x15: {  	[smem:$0x3FB9] =	sst s0;
	s0 =	simm.s32 @!p2 $0x0  }
0x16: {  	s3 =	sld [smem:$0x3FDB];
	s0 =	simm.s32 @p2 $0x1  }
0x17: {  	s4 =	simm.s32 $0x1BF5;
	[smem:$0x3FBB] =	sst s0  }
0x18: {  	s0 =	sld [smem:$0x3F9E];
	_ =	swait.ge [sflag:s4], $0x0  }
0x19: {  	s7 =	sld [smem:$0x3F9F]  }
0x1a: {  	s8 =	sadd.s32 $0xFFFFE003, lr  }
0x1b: {  	s9 =	sadd.s32 $0xFFFFFEF7, lr;
	s5 =	simm.s32 $0xFFFFFFFF;
	p2 =	slt.u32 s8, $0xFFFFF086  }
0x1c: {  	p1 =	slt.u32 s9, $0xF7A;
	s5 =	simm.s32 @!p2 $0x0  }
0x1d: {  	s5 =	simm.s32 @p1 $0x1;
	p0 =	seq.s32 s7, s2  }
0x1e: {  	s7 =	smul.u32 @!p0 $0xF7A, s2;
	p2 =	seq.s32 @!p0 s5, $0x0  }
0x1f: {  	s9 =	smul.u32 $0xF7A, s1;
	s8 =	simm.s32 @!p0 $0x1BF5;
	p2 =	por !p2, p0  }
0x20: {  	[sflag:s8] =	ssyncset.s32 @!p0 $0xFFFFF086;
	s6 =	sadd.s32 @!p0 s3, s7;
	s7 =	simm.s32 @!p0 $0x108  }
0x21: {  	s3 =	sadd.s32 s3, s9;
	s6 =	sadd.s32 @!p0 $0x88, s6;
	s7 =	simm.s32 @p2 $0x1082  }
0x22: {  	[simem:s7], [sflag:s8] =	dma.local @!p0 [hbm:s6], $0xF7A  }
0x23: {  	s9 =	sor.u32 $0xD0000000, s2;
	s6 =	simm.s32 $0x108;
	_ =	swait.ge @!p0 [sflag:s8], $0x0  }
0x24: {  	s3 =	sadd.s32 $0x88, s3;
	s6 =	simm.s32 @!p1 $0x1082;
	[sflag:s4] =	ssyncset.s32 $0xFFFFF086  }
0x25: {  	[simem:s6], [sflag:s4] =	dma.local [hbm:s3], $0xF7A  }
0x26: {  	[smem:$0x3F9F] =	sst s1;
	(tag) =	ssettag s2;
	_ =	strace s9  }
0x27: {  	s1 =	sld [smem:$0x3FAF]  }
0x28: {  	s2 =	sld [smem:$0x3FB0]  }
0x29: {  	s4 =	sld [smem:$0x3FB2]  }
0x2a: {  	p0 =	seq.s32 s5, $0x0;
	s5 =	sld [smem:$0x3FB3]  }
0x2b: {  	s6 =	sld [smem:$0x3FB4]  }
0x2c: {  	s7 =	sld [smem:$0x3FB5]  }
0x2d: {  	s3 =	simm.s32 $0x108;
	s8 =	sld [smem:$0x3FB6]  }
0x2e: {  	s3 =	simm.s32 @!p0 $0x1082;
	s9 =	sld [smem:$0x3FB7]  }
0x2f: {  	lr =	sadd.s32 s0, s3;
	s0 =	sld [smem:$0x3FAE]  }
0x30: {  	s3 =	sld [smem:$0x3FB1]  }
0x31: {  	[smem:$0x3FBA] =	sst s10  }
0x32: {  	s10 =	sld [smem:$0x3FB8];
	_ =	sdelay $0x3  }
0x33: {  	p0 =	seq.s32 s10, $0x1;
	s10 =	sld [smem:$0x3FBA];
	_ =	sdelay $0x3  }
0x34: {  	[smem:$0x3FBA] =	sst s10  }
0x35: {  	s10 =	sld [smem:$0x3FB9];
	_ =	sdelay $0x3  }
0x36: {  	p1 =	seq.s32 s10, $0x1;
	s10 =	sld [smem:$0x3FBA];
	_ =	sdelay $0x3  }
0x37: {  	[smem:$0x3FBA] =	sst s10  }
0x38: {  	s10 =	sld [smem:$0x3FBB]  }
0x39: {  	_ = 	snop;
	(pc) =	sbr.ind lr, $3  }
0x3a: {  	_ = 	snop  }
0x3b: {  	_ = 	snop  }
0x3c: {  	p2 =	seq.s32 s10, $0x1;
	s10 =	sld [smem:$0x3FBA]  }
0x3d: {  	_ =	shalt  }
0x3e: {  	_ =	shalt  }
0x3f: {  	_ =	shalt  }
0x40: {  	_ =	shalt  }
0x41: {  	_ =	shalt  }
0x42: {  	_ =	shalt  }
0x43: {  	_ =	shalt  }
0x44: {  	_ =	shalt  }
0x45: {  	_ =	shalt  }
0x46: {  	_ =	shalt  }
0x47: {  	_ =	shalt  }
0x48: {  	_ =	shalt  }
0x49: {  	_ =	shalt  }
0x4a: {  	_ =	shalt  }
0x4b: {  	_ =	shalt  }
0x4c: {  	_ =	shalt  }
0x4d: {  	_ =	shalt  }
0x4e: {  	_ =	shalt  }
0x4f: {  	_ =	shalt  }
0x50: {  	_ =	shalt  }
0x51: {  	_ =	shalt  }
0x52: {  	_ =	shalt  }
0x53: {  	_ =	shalt  }
0x54: {  	_ =	shalt  }
0x55: {  	_ =	shalt  }
0x56: {  	_ =	shalt  }
0x57: {  	_ =	shalt  }
0x58: {  	_ =	shalt  }
0x59: {  	_ =	shalt  }
0x5a: {  	_ =	shalt  }
0x5b: {  	_ =	shalt  }
0x5c: {  	_ =	shalt  }
0x5d: {  	_ =	shalt  }
0x5e: {  	_ =	shalt  }
0x5f: {  	_ =	shalt  }
0x60: {  	_ =	shalt  }
0x61: {  	_ =	shalt  }
0x62: {  	_ =	shalt  }
0x63: {  	_ =	shalt  }
0x64: {  	_ =	shalt  }
0x65: {  	_ =	shalt  }
0x66: {  	_ =	shalt  }
0x67: {  	_ =	shalt  }
0x68: {  	_ =	shalt  }
0x69: {  	_ =	shalt  }
0x6a: {  	_ =	shalt  }
0x6b: {  	_ =	shalt  }
0x6c: {  	_ =	shalt  }
0x6d: {  	_ =	shalt  }
0x6e: {  	_ =	shalt  }
0x6f: {  	_ =	shalt  }
0x70: {  	_ =	shalt  }
0x71: {  	_ =	shalt  }
0x72: {  	_ =	shalt  }
0x73: {  	_ =	shalt  }
0x74: {  	_ =	shalt  }
0x75: {  	_ =	shalt  }
0x76: {  	_ =	shalt  }
0x77: {  	_ =	shalt  }
0x78: {  	_ =	shalt  }
0x79: {  	_ =	shalt  }
0x7a: {  	_ =	shalt  }
0x7b: {  	_ =	shalt  }
0x7c: {  	_ =	shalt  }
0x7d: {  	_ =	shalt  }
0x7e: {  	_ =	shalt  }
0x7f: {  	_ =	shalt  }
0x80: {  	_ =	shalt  }
0x81: {  	_ =	shalt  }
0x82: {  	_ =	shalt  }
0x83: {  	_ =	shalt  }
0x84: {  	_ =	shalt  }
0x85: {  	_ =	shalt  }
0x86: {  	_ =	shalt  }
0x87: {  	_ =	shalt  }
.Lfunc_end0:
.L_simem_size_0:
called_computation_lowered:
.L_overlay_start_0:
0x88: {  	s2 =	sld [smem:$0x3FD9]  }
0x89: {  	s3 =	sld [smem:$0x3FFE];
	_ =	sdelay $0x1  }
0x8a: {  	s1 =	srdreg.scid  }
0x8b: {  	s0 =	sand.u32 $0x1, s1  }
0x8c: {  	s17 =	sshll.u32 s0, $0xA;
	s2 =	sadd.s32 s3, s2  }
0x8d: {  	s2 =	sadd.s32 s2, s17  }
0x8e: {  	[smem:$0x3FC6] =	sst s2  }
0x8f: {  	_ = 	snop  }
0x90: {  	s2 =	sld [smem:$0x3FC9]  }
0x91: {  	s18 =	sld [smem:$0x3FD0];
	(tm) =	ssettm $0x1  }
0x92: {  	s4 =	sld [smem:$0x3FFB];
	_ =	sdelay $0x3  }
0x93: {  	_ =	strace s4  }
0x94: {  	s4 =	sld [smem:$0x3FFC];
	_ =	sdelay $0x3  }
0x95: {  	_ =	strace s4  }
0x96: {  	s4 =	sld [smem:$0x3FFD];
	_ =	sdelay $0x3  }
0x97: {  	_ =	strace s4  }
0x98: {  	_ =	strace $0x8FFFFFFF  }
0x99: {  	s19 =	sld [smem:$0x3FDB];
	_ =	sdelay $0x1  }
0x9a: {  	s5 =	simm.s32 $_scs_section_size  }
0x9b: {  	s6 =	simm.s32 $_size__tile_overlayer_lowered;
	s7 =	simm.s32 $_tile_overlayer_lowered  }
0x9c: {  	s22 =	simm.s32 $0x1BFF;
	s21 =	sshll.u32 s7, $0x1;
	s4 =	sadd.s32 s5, s19  }
0x9d: {  	s8 =	simm.s32 $0x0;
	s20 =	sshll.u32 s6, $0x1;
	s6 =	sadd.s32 s21, s4  }
0x9e: {  	[timem:s8], [sflag:s22] =	dma.local [hbm:s6], s20  }
0x9f: {  	_ =	swait.ge [sflag:s22], s20  }
0xa0: {  	s5 =	ssub.s32 $0x0, s20;
	[sflag:s22] =	ssyncset.done $0x0  }
0xa1: {  	[sflag:s22] =	ssyncadd.s32 s5;
	_ =	sdelay $0x1  }
0xa2: {  	s23 =	simm.s32 $0x1B8B  }
0xa3: {  	_ =	swait.ge [sflag:s23], $0x1  }
0xa4: {  	[sflag:s23] =	ssyncset.done $0x0  }
0xa5: {  	s25 =	simm.s32 $0x1B8E;
	s24 =	sld [smem:$0x3FFE];
	[sflag:s23] =	ssyncadd.s32 $0xFFFFFFFF  }
0xa6: {  	s26 =	simm.s32 $execute0_lowered;
	[smem:$0x3FD2] =	sst s25  }
0xa7: {  	s6 =	sshll.u32 s26, $0x1;
	_ =	strace $0x80000046;
	[dreg:$0x1] =	wrdreg $0xFFFFFFFF  }
0xa8: {  	s28 =	simm.s32 $_size_execute0_lowered;
	s4 =	sadd.s32 s4, s6;
	[dreg:$0x0] =	wrdreg $0x0  }
0xa9: {  	s6 =	sshll.u32 s28, $0x1;
	[dreg:$0x2] =	wrdreg s4  }
0xaa: {  	[dreg:$0x3] =	wrdreg s6  }
0xab: {  	[dreg:$0x4] =	wrdreg $0xC0  }
0xac: {  	_ =	task [dreg:s8], $0x5FFFF  }
0xad: {  	[dreg:$0x1] =	wrdreg $0xFFFFFFFF  }
0xae: {  	[dreg:$0x0] =	wrdreg $0x60  }
0xaf: {  	[dreg:$0x2] =	wrdreg s2  }
0xb0: {  	[dreg:$0x3] =	wrdreg s24  }
0xb1: {  	[dreg:$0x4] =	wrdreg s18  }
0xb2: {  	[dreg:$0x5] =	wrdreg $0x9  }
0xb3: {  	_ =	task.clear_ibuf [dreg:s8], $0x6FFFF;
	_ =	strace $0x90000046  }
0xb4: {  	s29 =	simm.s32 $0x9;
	_ =	strace $0x80000048  }
0xb5: {  	_ =	swait.ge [sflag:s29], $0x1  }
0xb6: {  	[sflag:s29] =	ssyncadd.s32 $0xFFFFFFFF  }
0xb7: {  	_ =	strace $0x90000048  }
0xb8: {  	_ =	sfence  }
0xb9: {  	s30 =	sld [smem:$0x0];
	_ =	sdelay $0x2  }
0xba: {  	s31 =	sshll.u32 s1, $0xD;
	s1 =	sshrl.u32 s1, $0x2  }
0xbb: {  	s3 =	sand.u32 $0x4000, s31;
	s1 =	sadd.s32 s1, s30  }
0xbc: {  	s0 =	sor.u32 s3, s0;
	s1 =	sshll.u32 s1, $0x11  }
0xbd: {  	s0 =	sor.u32 s1, s0  }
0xbe: {  	s0 =	sadd.s32 $0x8F2B, s0  }
0xbf: {  	[sflag:s0] =	ssyncadd.remote.s32 $0x1  }
0xc0: {  	_ =	sfence.sel $0xFFFF  }
0xc1: {  	[dreg:$0x0] =	wrdreg $0xFFFFFFFF;
	(pc) =	sbr.abs _section_cstart, $3  }
0xc2: {  	[dreg:$0x1] =	wrdreg $0xFFFFFFFF  }
0xc3: {  	_ =	task.clear_ibuf [dreg:s8], $0x2FFFF;
	_ =	strace $0x9FFFFFFF  }
0xc4: {  	(tm) =	ssettm $0x7FFFFFFF  }
0xc5: {  	_ =	shalt  }
tec
execute0_lowered:
.L_overlay_start_1:
0x0: {  	(tag) =	ssettag $0x1  }
0x1: {  	s4 =	rddreg [dreg:$0x0]  }
0x2: {  	s3 =	rddreg [dreg:$0x1]  }
0x3: {  	s5 =	rddreg [dreg:$0x2];
	s2 =	srdreg.scid  }
0x4: {  	s0 =	rddreg [dreg:$0x3];
	s1 =	stileid.u32;
	s10 =	simm.s32 $0x20000  }
0x5: {  	s11 =	simm.s32 $0x1880;
	s12 =	simm.s32 $0x2;
	s13 =	simm.s32 $0x0  }
0x6: {  	s6 =	sand.u32 $0x1, s2;
	s2 =	simm.s32 $0x0;
	s7 =	sshll.u32 s1, $0xA  }
0x7: {  	s3 =	sadd.s32 $0x400, s3;
	s8 =	sshll.u32 s6, $0x9;
	[smem:$0x7FF] =	sst s2  }
0x8: {  	s6 =	ssub.s32 $0x2, s6;
	s7 =	sor.u32 s8, s7;
	_ =	strace $0x80000047  }
0x9: {  	s31 =	sshrl.u32 s6, $0x1;
	s8 =	simm.s32 $0x1;
	s9 =	sshrl.u32 s7, $0x3  }
0xa: {  	s6 =	ssub.s32 s6, s31;
	s5 =	sadd.s32 s5, s7;
	s7 =	simm.s32 $0x200  }
0xb: {  	s4 =	sadd.s32 s4, s9;
	s6 =	smax.u32 s6, $0x1;
	s9 =	simm.s32 $0x1000  }
.LBB2_1:
0xc: {  	[tilespmem:s2], [sflag:$0x1] =	stream.linear.gather [hbm4b:s4+s2], $0x200, $0x38;
	[tilespmem:$0x9880] =	vst v63  }
0xd: {  	_ = 	snop  }
0xe: {  	[tilespmem:s7], [sflag:$0x1] =	stream.linear.gather [hbm4b:s3+s2], $0x1680, $0x38;
	[tilespmem:$0x9880] =	vst v63  }
0xf: {  	_ =	swait.ge [sflag:s8], $0x200  }
0x10: {  	[sflag:s8] =	ssyncset.done $0x0  }
0x11: {  	[sflag:s8] =	ssyncadd.s32 $0xFFFFFE00  }
0x12: {  	_ =	swait.ge [sflag:s8], $0x1680  }
0x13: {  	[sflag:s8] =	ssyncset.done $0x0  }
0x14: {  	[sflag:s8] =	ssyncadd.s32 $0xFFFFE980  }
0x15: {  	v7 =	vld [tilespmem:s2+$0x0];
	_ =	sdelay $0x7  }
0x16: {  	v0 =	vld.idx.msk [tilespmem:v7+s7+$0x0], $0xffff  }
0x17: {  	v1 =	vadd.s32 $0x59, v7  }
0x18: {  	s14 =	simm.s32 $0x0  }
0x19: {  	s16 =	sand.u32 $0xC00, s2;
	s15 =	sand.u32 $0x70, s14  }
0x1a: {  	s20 =	sor.u32 s15, s16  }
0x1b: {  	[tilespmem:s20+$0x1880] =	vst v0  }
0x1c: {  	v0 =	vld.idx.msk [tilespmem:v1+s7+$0x0], $0xffff  }
0x1d: {  	v1 =	vadd.s32 $0xB2, v7;
	_ =	sdelay $0x3  }
0x1e: {  	[tilespmem:s20+$0x1900] =	vst v0  }
0x1f: {  	v0 =	vld.idx.msk [tilespmem:v1+s7+$0x0], $0xffff  }
0x20: {  	v1 =	vadd.s32 $0x10B, v7;
	_ =	sdelay $0x3  }
0x21: {  	[tilespmem:s20+$0x1980] =	vst v0  }
0x22: {  	v0 =	vld.idx.msk [tilespmem:v1+s7+$0x0], $0xffff  }
0x23: {  	v1 =	vadd.s32 $0x164, v7;
	_ =	sdelay $0x3  }
0x24: {  	[tilespmem:s20+$0x1A00] =	vst v0  }
0x25: {  	v0 =	vld.idx.msk [tilespmem:v1+s7+$0x0], $0xffff  }
0x26: {  	v1 =	vadd.s32 $0x1BD, v7;
	_ =	sdelay $0x2  }
0x27: {  	s17 =	simm.s32 $0x10  }
0x28: {  	v2 =	vld [tilespmem:s17+$0x0];
	[tilespmem:s20+$0x1A80] =	vst v0  }
0x29: {  	v0 =	vld.idx.msk [tilespmem:v1+s7+$0x0], $0xffff  }
0x2a: {  	v1 =	vadd.s32 $0x216, v7;
	_ =	sdelay $0x3  }
0x2b: {  	[tilespmem:s20+$0x1B00] =	vst v0  }
0x2c: {  	v0 =	vld.idx.msk [tilespmem:v1+s7+$0x0], $0xffff  }
0x2d: {  	v1 =	vadd.s32 $0x26F, v7;
	_ =	sdelay $0x3  }
0x2e: {  	[tilespmem:s20+$0x1B80] =	vst v0  }
0x2f: {  	v0 =	vld.idx.msk [tilespmem:v1+s7+$0x0], $0xffff  }
0x30: {  	v1 =	vadd.s32 $0x2C8, v7;
	_ =	sdelay $0x1  }
0x31: {  	s14 =	sor.u32 s2, s14  }
0x32: {  	s14 =	sor.u32 $0x380, s14  }
0x33: {  	[tilespmem:s14+$0x1880] =	vst v0  }
0x34: {  	v0 =	vld.idx.msk [tilespmem:v1+s7+$0x0], $0xffff  }
0x35: {  	v1 =	vadd.s32 $0x321, v7;
	_ =	sdelay $0x3  }
0x36: {  	[tilespmem:s20+$0x2880] =	vst v0  }
0x37: {  	v0 =	vld.idx.msk [tilespmem:v1+s7+$0x0], $0xffff  }
0x38: {  	v3 =	vld.idx.msk [tilespmem:v2+s7+$0x0], $0xffff;
	v1 =	vadd.s32 $0x37A, v7  }
0x39: {  	v4 =	vadd.s32 $0x59, v2  }
0x3a: {  	s18 =	simm.s32 $0x10;
	s19 =	simm.s32 $0x80  }
0x3b: {  	s21 =	sand.u32 $0x70, s18;
	s17 =	sand.u32 $0xC00, s19  }
0x3c: {  	s16 =	sor.u32 s21, s17;
	[tilespmem:s20+$0x2900] =	vst v0  }
0x3d: {  	[tilespmem:s16+$0x1880] =	vst v3;
	v0 =	vld.idx.msk [tilespmem:v1+s7+$0x0], $0xffff  }
0x3e: {  	v3 =	vld.idx.msk [tilespmem:v4+s7+$0x0], $0xffff;
	v1 =	vadd.s32 $0x3D3, v7  }
0x3f: {  	v4 =	vadd.s32 $0xB2, v2;
	_ =	sdelay $0x2  }
0x40: {  	[tilespmem:s20+$0x2980] =	vst v0  }
0x41: {  	[tilespmem:s16+$0x1900] =	vst v3;
	v0 =	vld.idx.msk [tilespmem:v1+s7+$0x0], $0xffff  }
0x42: {  	v3 =	vld.idx.msk [tilespmem:v4+s7+$0x0], $0xffff;
	v1 =	vadd.s32 $0x42C, v7  }
0x43: {  	v4 =	vadd.s32 $0x10B, v2;
	_ =	sdelay $0x2  }
0x44: {  	[tilespmem:s20+$0x2A00] =	vst v0  }
0x45: {  	[tilespmem:s16+$0x1980] =	vst v3;
	v0 =	vld.idx.msk [tilespmem:v1+s7+$0x0], $0xffff  }
0x46: {  	v3 =	vld.idx.msk [tilespmem:v4+s7+$0x0], $0xffff;
	v1 =	vadd.s32 $0x485, v7  }
0x47: {  	v4 =	vadd.s32 $0x164, v2;
	_ =	sdelay $0x2  }
0x48: {  	[tilespmem:s20+$0x2A80] =	vst v0  }
0x49: {  	[tilespmem:s16+$0x1A00] =	vst v3;
	v0 =	vld.idx.msk [tilespmem:v1+s7+$0x0], $0xffff  }
0x4a: {  	v3 =	vld.idx.msk [tilespmem:v4+s7+$0x0], $0xffff;
	v1 =	vadd.s32 $0x4DE, v7  }
0x4b: {  	v4 =	vadd.s32 $0x1BD, v2;
	_ =	sdelay $0x2  }
0x4c: {  	[tilespmem:s20+$0x2B00] =	vst v0  }
0x4d: {  	[tilespmem:s16+$0x1A80] =	vst v3;
	v0 =	vld.idx.msk [tilespmem:v1+s7+$0x0], $0xffff  }
0x4e: {  	v3 =	vld.idx.msk [tilespmem:v4+s7+$0x0], $0xffff;
	v1 =	vadd.s32 $0x537, v7  }
0x4f: {  	v4 =	vadd.s32 $0x216, v2;
	_ =	sdelay $0x2  }
0x50: {  	[tilespmem:s20+$0x2B80] =	vst v0  }
0x51: {  	[tilespmem:s16+$0x1B00] =	vst v3;
	v0 =	vld.idx.msk [tilespmem:v1+s7+$0x0], $0xffff  }
0x52: {  	v3 =	vld.idx.msk [tilespmem:v4+s7+$0x0], $0xffff;
	v1 =	vadd.s32 $0x590, v7  }
0x53: {  	v4 =	vadd.s32 $0x26F, v2;
	_ =	sdelay $0x2  }
0x54: {  	[tilespmem:s20+$0x2C00] =	vst v0  }
0x55: {  	[tilespmem:s16+$0x1B80] =	vst v3;
	v0 =	vld.idx.msk [tilespmem:v1+s7+$0x0], $0xffff  }
0x56: {  	v3 =	vld.idx.msk [tilespmem:v4+s7+$0x0], $0xffff;
	v1 =	vadd.s32 $0x5E9, v7  }
0x57: {  	v4 =	vadd.s32 $0x2C8, v2;
	_ =	sdelay $0x1  }
0x58: {  	s14 =	sor.u32 s19, s18  }
0x59: {  	s14 =	sor.u32 $0x380, s14;
	[tilespmem:s20+$0x3880] =	vst v0  }
0x5a: {  	[tilespmem:s14+$0x1880] =	vst v3;
	v1 =	vld.idx.msk [tilespmem:v1+s7+$0x0], $0xffff  }
0x5b: {  	s22 =	simm.s32 $0x20;
	v3 =	vadd.s32 $0x642, v7;
	v4 =	vld.idx.msk [tilespmem:v4+s7+$0x0], $0xffff  }
0x5c: {  	v0 =	vld [tilespmem:s22+$0x0]  }
0x5d: {  	v5 =	vadd.s32 $0x321, v2;
	_ =	sdelay $0x1  }
0x5e: {  	[tilespmem:s20+$0x3900] =	vst v1  }
0x5f: {  	v1 =	vld.idx.msk [tilespmem:v3+s7+$0x0], $0xffff  }
0x60: {  	[tilespmem:s16+$0x2880] =	vst v4;
	v3 =	vadd.s32 $0x69B, v7  }
0x61: {  	v4 =	vld.idx.msk [tilespmem:v5+s7+$0x0], $0xffff  }
0x62: {  	v5 =	vadd.s32 $0x37A, v2  }
0x63: {  	v6 =	vld.idx.msk [tilespmem:v0+s7+$0x0], $0xffff  }
0x64: {  	v8 =	vadd.s32 $0x59, v0;
	[tilespmem:s20+$0x3980] =	vst v1  }
0x65: {  	s23 =	simm.s32 $0x20;
	s24 =	simm.s32 $0x100;
	v1 =	vld.idx.msk [tilespmem:v3+s7+$0x0], $0xffff  }
0x66: {  	s25 =	sand.u32 $0x70, s23;
	s18 =	sand.u32 $0xC00, s24;
	[tilespmem:s16+$0x2900] =	vst v4;
	v3 =	vadd.s32 $0x6F4, v7  }
0x67: {  	s14 =	sor.u32 s25, s18;
	v4 =	vld.idx.msk [tilespmem:v5+s7+$0x0], $0xffff  }
0x68: {  	v5 =	vadd.s32 $0x3D3, v2;
	[tilespmem:s14+$0x1880] =	vst v6  }
0x69: {  	v6 =	vld.idx.msk [tilespmem:v8+s7+$0x0], $0xffff  }
0x6a: {  	v8 =	vadd.s32 $0xB2, v0;
	[tilespmem:s20+$0x3A00] =	vst v1  }
0x6b: {  	v1 =	vld.idx.msk [tilespmem:v3+s7+$0x0], $0xffff  }
0x6c: {  	[tilespmem:s16+$0x2980] =	vst v4;
	v3 =	vadd.s32 $0x74D, v7  }
0x6d: {  	v4 =	vld.idx.msk [tilespmem:v5+s7+$0x0], $0xffff  }
0x6e: {  	v5 =	vadd.s32 $0x42C, v2;
	[tilespmem:s14+$0x1900] =	vst v6  }
0x6f: {  	v6 =	vld.idx.msk [tilespmem:v8+s7+$0x0], $0xffff  }
0x70: {  	v8 =	vadd.s32 $0x10B, v0;
	[tilespmem:s20+$0x3A80] =	vst v1  }
0x71: {  	v1 =	vld.idx.msk [tilespmem:v3+s7+$0x0], $0xffff  }
0x72: {  	[tilespmem:s16+$0x2A00] =	vst v4;
	v3 =	vadd.s32 $0x7A6, v7  }
0x73: {  	v4 =	vld.idx.msk [tilespmem:v5+s7+$0x0], $0xffff  }
0x74: {  	v5 =	vadd.s32 $0x485, v2;
	[tilespmem:s14+$0x1980] =	vst v6  }
0x75: {  	v6 =	vld.idx.msk [tilespmem:v8+s7+$0x0], $0xffff  }
0x76: {  	v8 =	vadd.s32 $0x164, v0;
	[tilespmem:s20+$0x3B00] =	vst v1  }
0x77: {  	v1 =	vld.idx.msk [tilespmem:v3+s7+$0x0], $0xffff  }
0x78: {  	[tilespmem:s16+$0x2A80] =	vst v4;
	v3 =	vadd.s32 $0x7FF, v7  }
0x79: {  	v4 =	vld.idx.msk [tilespmem:v5+s7+$0x0], $0xffff  }
0x7a: {  	v5 =	vadd.s32 $0x4DE, v2;
	[tilespmem:s14+$0x1A00] =	vst v6  }
0x7b: {  	v6 =	vld.idx.msk [tilespmem:v8+s7+$0x0], $0xffff  }
0x7c: {  	v8 =	vadd.s32 $0x1BD, v0;
	[tilespmem:s20+$0x3B80] =	vst v1  }
0x7d: {  	v1 =	vld.idx.msk [tilespmem:v3+s7+$0x0], $0xffff  }
0x7e: {  	[tilespmem:s16+$0x2B00] =	vst v4;
	v3 =	vadd.s32 $0x858, v7  }
0x7f: {  	v4 =	vld.idx.msk [tilespmem:v5+s7+$0x0], $0xffff  }
0x80: {  	v5 =	vadd.s32 $0x537, v2;
	[tilespmem:s14+$0x1A80] =	vst v6  }
0x81: {  	v6 =	vld.idx.msk [tilespmem:v8+s7+$0x0], $0xffff  }
0x82: {  	v8 =	vadd.s32 $0x216, v0;
	[tilespmem:s20+$0x3C00] =	vst v1  }
0x83: {  	v1 =	vld.idx.msk [tilespmem:v3+s7+$0x0], $0xffff  }
0x84: {  	[tilespmem:s16+$0x2B80] =	vst v4;
	v3 =	vadd.s32 $0x8B1, v7  }
0x85: {  	v4 =	vld.idx.msk [tilespmem:v5+s7+$0x0], $0xffff  }
0x86: {  	v5 =	vadd.s32 $0x590, v2;
	[tilespmem:s14+$0x1B00] =	vst v6  }
0x87: {  	v6 =	vld.idx.msk [tilespmem:v8+s7+$0x0], $0xffff  }
0x88: {  	v8 =	vadd.s32 $0x26F, v0;
	[tilespmem:s20+$0x4880] =	vst v1  }
0x89: {  	v1 =	vld.idx.msk [tilespmem:v3+s7+$0x0], $0xffff  }
0x8a: {  	[tilespmem:s16+$0x2C00] =	vst v4;
	v3 =	vadd.s32 $0x90A, v7  }
0x8b: {  	v4 =	vld.idx.msk [tilespmem:v5+s7+$0x0], $0xffff  }
0x8c: {  	v5 =	vadd.s32 $0x5E9, v2;
	[tilespmem:s14+$0x1B80] =	vst v6  }
0x8d: {  	v6 =	vld.idx.msk [tilespmem:v8+s7+$0x0], $0xffff  }
0x8e: {  	v8 =	vadd.s32 $0x2C8, v0;
	[tilespmem:s20+$0x4900] =	vst v1  }
0x8f: {  	v3 =	vld.idx.msk [tilespmem:v3+s7+$0x0], $0xffff  }
0x90: {  	s15 =	sor.u32 s24, s23;
	[tilespmem:s16+$0x3880] =	vst v4;
	v4 =	vadd.s32 $0x963, v7  }
0x91: {  	s26 =	simm.s32 $0x30;
	s15 =	sor.u32 $0x380, s15;
	v5 =	vld.idx.msk [tilespmem:v5+s7+$0x0], $0xffff  }
0x92: {  	v1 =	vld [tilespmem:s26+$0x0];
	[tilespmem:s15+$0x1880] =	vst v6;
	v6 =	vadd.s32 $0x642, v2  }
0x93: {  	v8 =	vld.idx.msk [tilespmem:v8+s7+$0x0], $0xffff  }
0x94: {  	v9 =	vadd.s32 $0x321, v0;
	[tilespmem:s20+$0x4980] =	vst v3  }
0x95: {  	v3 =	vld.idx.msk [tilespmem:v4+s7+$0x0], $0xffff  }
0x96: {  	[tilespmem:s16+$0x3900] =	vst v5;
	v4 =	vadd.s32 $0x9BC, v7  }
0x97: {  	v5 =	vld.idx.msk [tilespmem:v6+s7+$0x0], $0xffff  }
0x98: {  	v6 =	vadd.s32 $0x69B, v2;
	[tilespmem:s14+$0x2880] =	vst v8  }
0x99: {  	v8 =	vld.idx.msk [tilespmem:v9+s7+$0x0], $0xffff  }
0x9a: {  	v10 =	vadd.s32 $0x37A, v0;
	v9 =	vld.idx.msk [tilespmem:v1+s7+$0x0], $0xffff;
	[tilespmem:s20+$0x4A00] =	vst v3  }
0x9b: {  	v3 =	vld.idx.msk [tilespmem:v4+s7+$0x0], $0xffff;
	v4 =	vadd.s32 $0x59, v1  }
0x9c: {  	s28 =	simm.s32 $0x30;
	s29 =	simm.s32 $0x180;
	[tilespmem:s16+$0x3980] =	vst v5;
	v5 =	vadd.s32 $0xA15, v7  }
0x9d: {  	s30 =	sand.u32 $0x70, s28;
	s19 =	sand.u32 $0xC00, s29;
	v6 =	vld.idx.msk [tilespmem:v6+s7+$0x0], $0xffff  }
0x9e: {  	s15 =	sor.u32 s30, s19;
	[tilespmem:s14+$0x2900] =	vst v8;
	v8 =	vadd.s32 $0x6F4, v2  }
0x9f: {  	[tilespmem:s15+$0x1880] =	vst v9;
	v10 =	vld.idx.msk [tilespmem:v10+s7+$0x0], $0xffff  }
0xa0: {  	v9 =	vadd.s32 $0x3D3, v0;
	v4 =	vld.idx.msk [tilespmem:v4+s7+$0x0], $0xffff;
	[tilespmem:s20+$0x4A80] =	vst v3  }
0xa1: {  	v3 =	vld.idx.msk [tilespmem:v5+s7+$0x0], $0xffff;
	v5 =	vadd.s32 $0xB2, v1  }
0xa2: {  	[tilespmem:s16+$0x3A00] =	vst v6;
	v6 =	vadd.s32 $0xA6E, v7  }
0xa3: {  	v8 =	vld.idx.msk [tilespmem:v8+s7+$0x0], $0xffff  }
0xa4: {  	[tilespmem:s14+$0x2980] =	vst v10;
	v10 =	vadd.s32 $0x74D, v2  }
0xa5: {  	v9 =	vld.idx.msk [tilespmem:v9+s7+$0x0], $0xffff;
	[tilespmem:s15+$0x1900] =	vst v4  }
0xa6: {  	v4 =	vld.idx.msk [tilespmem:v5+s7+$0x0], $0xffff;
	v5 =	vadd.s32 $0x42C, v0;
	[tilespmem:s20+$0x4B00] =	vst v3  }
0xa7: {  	v3 =	vld.idx.msk [tilespmem:v6+s7+$0x0], $0xffff;
	v6 =	vadd.s32 $0x10B, v1  }
0xa8: {  	[tilespmem:s16+$0x3A80] =	vst v8;
	v8 =	vadd.s32 $0xAC7, v7  }
0xa9: {  	v10 =	vld.idx.msk [tilespmem:v10+s7+$0x0], $0xffff  }
0xaa: {  	[tilespmem:s14+$0x2A00] =	vst v9;
	v9 =	vadd.s32 $0x7A6, v2  }
0xab: {  	v5 =	vld.idx.msk [tilespmem:v5+s7+$0x0], $0xffff;
	[tilespmem:s15+$0x1980] =	vst v4  }
0xac: {  	v4 =	vld.idx.msk [tilespmem:v6+s7+$0x0], $0xffff;
	v6 =	vadd.s32 $0x485, v0;
	[tilespmem:s20+$0x4B80] =	vst v3  }
0xad: {  	v3 =	vld.idx.msk [tilespmem:v8+s7+$0x0], $0xffff;
	v8 =	vadd.s32 $0x164, v1  }
0xae: {  	[tilespmem:s16+$0x3B00] =	vst v10;
	v10 =	vadd.s32 $0xB20, v7  }
0xaf: {  	v9 =	vld.idx.msk [tilespmem:v9+s7+$0x0], $0xffff  }
0xb0: {  	[tilespmem:s14+$0x2A80] =	vst v5;
	v5 =	vadd.s32 $0x7FF, v2  }
0xb1: {  	v6 =	vld.idx.msk [tilespmem:v6+s7+$0x0], $0xffff;
	[tilespmem:s15+$0x1A00] =	vst v4  }
0xb2: {  	v4 =	vld.idx.msk [tilespmem:v8+s7+$0x0], $0xffff;
	v8 =	vadd.s32 $0x4DE, v0;
	[tilespmem:s20+$0x4C00] =	vst v3  }
0xb3: {  	v3 =	vld.idx.msk [tilespmem:v10+s7+$0x0], $0xffff;
	v10 =	vadd.s32 $0x1BD, v1  }
0xb4: {  	[tilespmem:s16+$0x3B80] =	vst v9;
	v9 =	vadd.s32 $0xB79, v7  }
0xb5: {  	v5 =	vld.idx.msk [tilespmem:v5+s7+$0x0], $0xffff  }
0xb6: {  	[tilespmem:s14+$0x2B00] =	vst v6;
	v6 =	vadd.s32 $0x858, v2  }
0xb7: {  	v8 =	vld.idx.msk [tilespmem:v8+s7+$0x0], $0xffff;
	[tilespmem:s15+$0x1A80] =	vst v4  }
0xb8: {  	v4 =	vld.idx.msk [tilespmem:v10+s7+$0x0], $0xffff;
	v10 =	vadd.s32 $0x537, v0;
	[tilespmem:s20+$0x5880] =	vst v3  }
0xb9: {  	v3 =	vld.idx.msk [tilespmem:v9+s7+$0x0], $0xffff;
	v9 =	vadd.s32 $0x216, v1  }
0xba: {  	[tilespmem:s16+$0x3C00] =	vst v5;
	v5 =	vadd.s32 $0xBD2, v7  }
0xbb: {  	v6 =	vld.idx.msk [tilespmem:v6+s7+$0x0], $0xffff  }
0xbc: {  	[tilespmem:s14+$0x2B80] =	vst v8;
	v8 =	vadd.s32 $0x8B1, v2  }
0xbd: {  	v10 =	vld.idx.msk [tilespmem:v10+s7+$0x0], $0xffff;
	[tilespmem:s15+$0x1B00] =	vst v4  }
0xbe: {  	v4 =	vld.idx.msk [tilespmem:v9+s7+$0x0], $0xffff;
	v9 =	vadd.s32 $0x590, v0;
	[tilespmem:s20+$0x5900] =	vst v3  }
0xbf: {  	v3 =	vld.idx.msk [tilespmem:v5+s7+$0x0], $0xffff;
	v5 =	vadd.s32 $0x26F, v1  }
0xc0: {  	[tilespmem:s16+$0x4880] =	vst v6;
	v6 =	vadd.s32 $0xC2B, v7  }
0xc1: {  	v8 =	vld.idx.msk [tilespmem:v8+s7+$0x0], $0xffff  }
0xc2: {  	[tilespmem:s14+$0x2C00] =	vst v10;
	v10 =	vadd.s32 $0x90A, v2  }
0xc3: {  	v9 =	vld.idx.msk [tilespmem:v9+s7+$0x0], $0xffff;
	[tilespmem:s15+$0x1B80] =	vst v4  }
0xc4: {  	v4 =	vld.idx.msk [tilespmem:v5+s7+$0x0], $0xffff;
	v5 =	vadd.s32 $0x5E9, v0;
	[tilespmem:s20+$0x5980] =	vst v3  }
0xc5: {  	v11 =	vadd.s32 $0x2C8, v1;
	v6 =	vld.idx.msk [tilespmem:v6+s7+$0x0], $0xffff  }
0xc6: {  	[tilespmem:s16+$0x4900] =	vst v8;
	v8 =	vadd.s32 $0xC84, v7  }
0xc7: {  	s31 =	simm.s32 $0x40;
	s17 =	sor.u32 s29, s28;
	v10 =	vld.idx.msk [tilespmem:v10+s7+$0x0], $0xffff  }
0xc8: {  	s17 =	sor.u32 $0x380, s17;
	v3 =	vld [tilespmem:s31+$0x0];
	[tilespmem:s14+$0x3880] =	vst v9;
	v9 =	vadd.s32 $0x963, v2  }
0xc9: {  	v5 =	vld.idx.msk [tilespmem:v5+s7+$0x0], $0xffff;
	[tilespmem:s17+$0x1880] =	vst v4  }
0xca: {  	v4 =	vld.idx.msk [tilespmem:v11+s7+$0x0], $0xffff;
	v11 =	vadd.s32 $0x642, v0;
	[tilespmem:s20+$0x5A00] =	vst v6  }
0xcb: {  	v6 =	vld.idx.msk [tilespmem:v8+s7+$0x0], $0xffff;
	v8 =	vadd.s32 $0x321, v1  }
0xcc: {  	[tilespmem:s16+$0x4980] =	vst v10;
	v10 =	vadd.s32 $0xCDD, v7  }
0xcd: {  	v9 =	vld.idx.msk [tilespmem:v9+s7+$0x0], $0xffff  }
0xce: {  	[tilespmem:s14+$0x3900] =	vst v5;
	v5 =	vadd.s32 $0x9BC, v2  }
0xcf: {  	v11 =	vld.idx.msk [tilespmem:v11+s7+$0x0], $0xffff;
	[tilespmem:s15+$0x2880] =	vst v4  }
0xd0: {  	v4 =	vld.idx.msk [tilespmem:v8+s7+$0x0], $0xffff;
	v8 =	vadd.s32 $0x69B, v0;
	[tilespmem:s20+$0x5A80] =	vst v6  }
0xd1: {  	v6 =	vld.idx.msk [tilespmem:v10+s7+$0x0], $0xffff;
	v10 =	vadd.s32 $0x37A, v1  }
0xd2: {  	v12 =	vld.idx.msk [tilespmem:v3+s7+$0x0], $0xffff;
	[tilespmem:s16+$0x4A00] =	vst v9;
	v9 =	vadd.s32 $0xD36, v7  }
0xd3: {  	v13 =	vadd.s32 $0x59, v3;
	v5 =	vld.idx.msk [tilespmem:v5+s7+$0x0], $0xffff  }
0xd4: {  	s22 =	simm.s32 $0x200;
	s19 =	simm.s32 $0x40;
	[tilespmem:s14+$0x3980] =	vst v11;
	v11 =	vadd.s32 $0xA15, v2  }
0xd5: {  	s21 =	sand.u32 $0xC00, s22;
	s23 =	sand.u32 $0x70, s19;
	v8 =	vld.idx.msk [tilespmem:v8+s7+$0x0], $0xffff;
	[tilespmem:s15+$0x2900] =	vst v4  }
0xd6: {  	s17 =	sor.u32 s23, s21;
	v4 =	vld.idx.msk [tilespmem:v10+s7+$0x0], $0xffff;
	v10 =	vadd.s32 $0x6F4, v0;
	[tilespmem:s20+$0x5B00] =	vst v6  }
0xd7: {  	[tilespmem:s17+$0x1880] =	vst v12;
	v6 =	vld.idx.msk [tilespmem:v9+s7+$0x0], $0xffff;
	v9 =	vadd.s32 $0x3D3, v1  }
0xd8: {  	v12 =	vld.idx.msk [tilespmem:v13+s7+$0x0], $0xffff;
	[tilespmem:s16+$0x4A80] =	vst v5;
	v5 =	vadd.s32 $0xD8F, v7  }
0xd9: {  	v13 =	vadd.s32 $0xB2, v3;
	v11 =	vld.idx.msk [tilespmem:v11+s7+$0x0], $0xffff  }
0xda: {  	[tilespmem:s14+$0x3A00] =	vst v8;
	v8 =	vadd.s32 $0xA6E, v2  }
0xdb: {  	v10 =	vld.idx.msk [tilespmem:v10+s7+$0x0], $0xffff;
	[tilespmem:s15+$0x2980] =	vst v4  }
0xdc: {  	v4 =	vld.idx.msk [tilespmem:v9+s7+$0x0], $0xffff;
	v9 =	vadd.s32 $0x74D, v0;
	[tilespmem:s20+$0x5B80] =	vst v6  }
0xdd: {  	[tilespmem:s17+$0x1900] =	vst v12;
	v6 =	vadd.s32 $0x42C, v1;
	v5 =	vld.idx.msk [tilespmem:v5+s7+$0x0], $0xffff  }
0xde: {  	v12 =	vld.idx.msk [tilespmem:v13+s7+$0x0], $0xffff;
	[tilespmem:s16+$0x4B00] =	vst v11;
	v11 =	vadd.s32 $0xDE8, v7  }
0xdf: {  	v13 =	vadd.s32 $0x10B, v3;
	v8 =	vld.idx.msk [tilespmem:v8+s7+$0x0], $0xffff  }
0xe0: {  	[tilespmem:s14+$0x3A80] =	vst v10;
	v10 =	vadd.s32 $0xAC7, v2  }
0xe1: {  	v9 =	vld.idx.msk [tilespmem:v9+s7+$0x0], $0xffff;
	[tilespmem:s15+$0x2A00] =	vst v4  }
0xe2: {  	v4 =	vld.idx.msk [tilespmem:v6+s7+$0x0], $0xffff;
	v6 =	vadd.s32 $0x7A6, v0;
	[tilespmem:s20+$0x5C00] =	vst v5  }
0xe3: {  	[tilespmem:s17+$0x1980] =	vst v12;
	v5 =	vld.idx.msk [tilespmem:v11+s7+$0x0], $0xffff;
	v11 =	vadd.s32 $0x485, v1  }
0xe4: {  	v12 =	vld.idx.msk [tilespmem:v13+s7+$0x0], $0xffff;
	[tilespmem:s16+$0x4B80] =	vst v8;
	v8 =	vadd.s32 $0xE41, v7  }
0xe5: {  	v13 =	vadd.s32 $0x164, v3;
	v10 =	vld.idx.msk [tilespmem:v10+s7+$0x0], $0xffff  }
0xe6: {  	[tilespmem:s14+$0x3B00] =	vst v9;
	v9 =	vadd.s32 $0xB20, v2  }
0xe7: {  	v6 =	vld.idx.msk [tilespmem:v6+s7+$0x0], $0xffff;
	[tilespmem:s15+$0x2A80] =	vst v4  }
0xe8: {  	v4 =	vld.idx.msk [tilespmem:v11+s7+$0x0], $0xffff;
	v11 =	vadd.s32 $0x7FF, v0;
	[tilespmem:s20+$0x6880] =	vst v5  }
0xe9: {  	[tilespmem:s17+$0x1A00] =	vst v12;
	v5 =	vld.idx.msk [tilespmem:v8+s7+$0x0], $0xffff;
	v8 =	vadd.s32 $0x4DE, v1  }
0xea: {  	v12 =	vld.idx.msk [tilespmem:v13+s7+$0x0], $0xffff;
	[tilespmem:s16+$0x4C00] =	vst v10;
	v10 =	vadd.s32 $0xE9A, v7  }
0xeb: {  	v13 =	vadd.s32 $0x1BD, v3;
	v9 =	vld.idx.msk [tilespmem:v9+s7+$0x0], $0xffff  }
0xec: {  	[tilespmem:s14+$0x3B80] =	vst v6;
	v6 =	vadd.s32 $0xB79, v2  }
0xed: {  	v11 =	vld.idx.msk [tilespmem:v11+s7+$0x0], $0xffff;
	[tilespmem:s15+$0x2B00] =	vst v4  }
0xee: {  	v4 =	vld.idx.msk [tilespmem:v8+s7+$0x0], $0xffff;
	v8 =	vadd.s32 $0x858, v0;
	[tilespmem:s20+$0x6900] =	vst v5  }
0xef: {  	[tilespmem:s17+$0x1A80] =	vst v12;
	v5 =	vld.idx.msk [tilespmem:v10+s7+$0x0], $0xffff;
	v10 =	vadd.s32 $0x537, v1  }
0xf0: {  	v12 =	vld.idx.msk [tilespmem:v13+s7+$0x0], $0xffff;
	[tilespmem:s16+$0x5880] =	vst v9;
	v9 =	vadd.s32 $0xEF3, v7  }
0xf1: {  	v13 =	vadd.s32 $0x216, v3;
	v6 =	vld.idx.msk [tilespmem:v6+s7+$0x0], $0xffff  }
0xf2: {  	[tilespmem:s14+$0x3C00] =	vst v11;
	v11 =	vadd.s32 $0xBD2, v2  }
0xf3: {  	v8 =	vld.idx.msk [tilespmem:v8+s7+$0x0], $0xffff;
	[tilespmem:s15+$0x2B80] =	vst v4  }
0xf4: {  	v4 =	vld.idx.msk [tilespmem:v10+s7+$0x0], $0xffff;
	v10 =	vadd.s32 $0x8B1, v0;
	[tilespmem:s20+$0x6980] =	vst v5  }
0xf5: {  	[tilespmem:s17+$0x1B00] =	vst v12;
	v5 =	vld.idx.msk [tilespmem:v9+s7+$0x0], $0xffff;
	v9 =	vadd.s32 $0x590, v1  }
0xf6: {  	v12 =	vld.idx.msk [tilespmem:v13+s7+$0x0], $0xffff;
	[tilespmem:s16+$0x5900] =	vst v6;
	v6 =	vadd.s32 $0xF4C, v7  }
0xf7: {  	v13 =	vadd.s32 $0x26F, v3;
	v11 =	vld.idx.msk [tilespmem:v11+s7+$0x0], $0xffff  }
0xf8: {  	[tilespmem:s14+$0x4880] =	vst v8;
	v8 =	vadd.s32 $0xC2B, v2  }
0xf9: {  	v10 =	vld.idx.msk [tilespmem:v10+s7+$0x0], $0xffff;
	[tilespmem:s15+$0x2C00] =	vst v4  }
0xfa: {  	v14 =	vadd.s32 $0x90A, v0;
	v9 =	vld.idx.msk [tilespmem:v9+s7+$0x0], $0xffff;
	[tilespmem:s20+$0x6A00] =	vst v5  }
0xfb: {  	[tilespmem:s17+$0x1B80] =	vst v12;
	v5 =	vld.idx.msk [tilespmem:v6+s7+$0x0], $0xffff;
	v6 =	vadd.s32 $0x5E9, v1  }
0xfc: {  	v12 =	vld.idx.msk [tilespmem:v13+s7+$0x0], $0xffff;
	[tilespmem:s16+$0x5980] =	vst v11;
	v11 =	vadd.s32 $0xFA5, v7  }
0xfd: {  	s24 =	simm.s32 $0x50;
	v13 =	vadd.s32 $0x2C8, v3;
	v8 =	vld.idx.msk [tilespmem:v8+s7+$0x0], $0xffff  }
0xfe: {  	v4 =	vld [tilespmem:s24+$0x0];
	[tilespmem:s14+$0x4900] =	vst v10;
	v10 =	vadd.s32 $0xC84, v2  }
0xff: {  	s18 =	sor.u32 s22, s19;
	v14 =	vld.idx.msk [tilespmem:v14+s7+$0x0], $0xffff;
	[tilespmem:s15+$0x3880] =	vst v9  }
0x100: {  	s18 =	sor.u32 $0x380, s18;
	v9 =	vadd.s32 $0x963, v0;
	v6 =	vld.idx.msk [tilespmem:v6+s7+$0x0], $0xffff;
	[tilespmem:s20+$0x6A80] =	vst v5  }
0x101: {  	[tilespmem:s18+$0x1880] =	vst v12;
	v12 =	vadd.s32 $0x642, v1;
	v11 =	vld.idx.msk [tilespmem:v11+s7+$0x0], $0xffff  }
0x102: {  	v15 =	vadd.s32 $0xFFE, v7;
	v13 =	vld.idx.msk [tilespmem:v13+s7+$0x0], $0xffff;
	[tilespmem:s16+$0x5A00] =	vst v8  }
0x103: {  	s25 =	simm.s32 $0x60;
	v8 =	vld.idx.msk [tilespmem:v10+s7+$0x0], $0xffff;
	v10 =	vadd.s32 $0x321, v3  }
0x104: {  	v5 =	vld [tilespmem:s25+$0x0];
	[tilespmem:s14+$0x4980] =	vst v14;
	v14 =	vadd.s32 $0xCDD, v2  }
0x105: {  	v9 =	vld.idx.msk [tilespmem:v9+s7+$0x0], $0xffff;
	[tilespmem:s15+$0x3900] =	vst v6  }
0x106: {  	v6 =	vld.idx.msk [tilespmem:v12+s7+$0x0], $0xffff;
	v12 =	vadd.s32 $0x9BC, v0;
	[tilespmem:s20+$0x6B00] =	vst v11  }
0x107: {  	[tilespmem:s17+$0x2880] =	vst v13;
	v13 =	vadd.s32 $0x69B, v1;
	v11 =	vld.idx.msk [tilespmem:v15+s7+$0x0], $0xffff  }
0x108: {  	v10 =	vld.idx.msk [tilespmem:v10+s7+$0x0], $0xffff;
	[tilespmem:s16+$0x5A80] =	vst v8;
	v8 =	vadd.s32 $0x1057, v7  }
0x109: {  	v15 =	vadd.s32 $0x37A, v3;
	v14 =	vld.idx.msk [tilespmem:v14+s7+$0x0], $0xffff  }
0x10a: {  	v16 =	vld.idx.msk [tilespmem:v4+s7+$0x0], $0xffff;
	[tilespmem:s14+$0x4A00] =	vst v9;
	v9 =	vadd.s32 $0xD36, v2  }
0x10b: {  	v17 =	vadd.s32 $0x59, v4;
	v12 =	vld.idx.msk [tilespmem:v12+s7+$0x0], $0xffff;
	[tilespmem:s15+$0x3980] =	vst v6  }
0x10c: {  	s28 =	simm.s32 $0x280;
	s26 =	simm.s32 $0x50;
	v6 =	vld.idx.msk [tilespmem:v13+s7+$0x0], $0xffff;
	v13 =	vadd.s32 $0xA15, v0;
	[tilespmem:s20+$0x6B80] =	vst v11  }
0x10d: {  	s29 =	sand.u32 $0x70, s26;
	s22 =	sand.u32 $0xC00, s28;
	[tilespmem:s17+$0x2900] =	vst v10;
	v8 =	vld.idx.msk [tilespmem:v8+s7+$0x0], $0xffff;
	v10 =	vadd.s32 $0x6F4, v1  }
0x10e: {  	s18 =	sor.u32 s29, s22;
	v11 =	vld.idx.msk [tilespmem:v15+s7+$0x0], $0xffff;
	[tilespmem:s16+$0x5B00] =	vst v14;
	v14 =	vadd.s32 $0x10B0, v7  }
0x10f: {  	[tilespmem:s18+$0x1880] =	vst v16;
	v15 =	vadd.s32 $0x3D3, v3;
	v9 =	vld.idx.msk [tilespmem:v9+s7+$0x0], $0xffff  }
0x110: {  	v16 =	vld.idx.msk [tilespmem:v17+s7+$0x0], $0xffff;
	[tilespmem:s14+$0x4A80] =	vst v12;
	v12 =	vadd.s32 $0xD8F, v2  }
0x111: {  	v17 =	vadd.s32 $0xB2, v4;
	v13 =	vld.idx.msk [tilespmem:v13+s7+$0x0], $0xffff;
	[tilespmem:s15+$0x3A00] =	vst v6  }
0x112: {  	v6 =	vld.idx.msk [tilespmem:v10+s7+$0x0], $0xffff;
	v10 =	vadd.s32 $0xA6E, v0;
	[tilespmem:s20+$0x6C00] =	vst v8  }
0x113: {  	[tilespmem:s17+$0x2980] =	vst v11;
	v8 =	vld.idx.msk [tilespmem:v14+s7+$0x0], $0xffff;
	v11 =	vadd.s32 $0x74D, v1  }
0x114: {  	v14 =	vld.idx.msk [tilespmem:v15+s7+$0x0], $0xffff;
	[tilespmem:s16+$0x5B80] =	vst v9;
	v9 =	vadd.s32 $0x1109, v7  }
0x115: {  	[tilespmem:s18+$0x1900] =	vst v16;
	v15 =	vadd.s32 $0x42C, v3;
	v12 =	vld.idx.msk [tilespmem:v12+s7+$0x0], $0xffff  }
0x116: {  	v16 =	vld.idx.msk [tilespmem:v17+s7+$0x0], $0xffff;
	[tilespmem:s14+$0x4B00] =	vst v13;
	v13 =	vadd.s32 $0xDE8, v2  }
0x117: {  	v17 =	vadd.s32 $0x10B, v4;
	v10 =	vld.idx.msk [tilespmem:v10+s7+$0x0], $0xffff;
	[tilespmem:s15+$0x3A80] =	vst v6  }
0x118: {  	v6 =	vld.idx.msk [tilespmem:v11+s7+$0x0], $0xffff;
	v11 =	vadd.s32 $0xAC7, v0;
	[tilespmem:s20+$0x7880] =	vst v8  }
0x119: {  	[tilespmem:s17+$0x2A00] =	vst v14;
	v8 =	vld.idx.msk [tilespmem:v9+s7+$0x0], $0xffff;
	v9 =	vadd.s32 $0x7A6, v1  }
0x11a: {  	v14 =	vld.idx.msk [tilespmem:v15+s7+$0x0], $0xffff;
	[tilespmem:s16+$0x5C00] =	vst v12;
	v12 =	vadd.s32 $0x1162, v7  }
0x11b: {  	[tilespmem:s18+$0x1980] =	vst v16;
	v15 =	vadd.s32 $0x485, v3;
	v13 =	vld.idx.msk [tilespmem:v13+s7+$0x0], $0xffff  }
0x11c: {  	v16 =	vld.idx.msk [tilespmem:v17+s7+$0x0], $0xffff;
	[tilespmem:s14+$0x4B80] =	vst v10;
	v10 =	vadd.s32 $0xE41, v2  }
0x11d: {  	v17 =	vadd.s32 $0x164, v4;
	v11 =	vld.idx.msk [tilespmem:v11+s7+$0x0], $0xffff;
	[tilespmem:s15+$0x3B00] =	vst v6  }
0x11e: {  	v6 =	vld.idx.msk [tilespmem:v9+s7+$0x0], $0xffff;
	v9 =	vadd.s32 $0xB20, v0;
	[tilespmem:s20+$0x7900] =	vst v8  }
0x11f: {  	[tilespmem:s17+$0x2A80] =	vst v14;
	v8 =	vld.idx.msk [tilespmem:v12+s7+$0x0], $0xffff;
	v12 =	vadd.s32 $0x7FF, v1  }
0x120: {  	v14 =	vld.idx.msk [tilespmem:v15+s7+$0x0], $0xffff;
	[tilespmem:s16+$0x6880] =	vst v13;
	v13 =	vadd.s32 $0x11BB, v7  }
0x121: {  	[tilespmem:s18+$0x1A00] =	vst v16;
	v15 =	vadd.s32 $0x4DE, v3;
	v10 =	vld.idx.msk [tilespmem:v10+s7+$0x0], $0xffff  }
0x122: {  	v16 =	vld.idx.msk [tilespmem:v17+s7+$0x0], $0xffff;
	[tilespmem:s14+$0x4C00] =	vst v11;
	v11 =	vadd.s32 $0xE9A, v2  }
0x123: {  	v17 =	vadd.s32 $0x1BD, v4;
	v9 =	vld.idx.msk [tilespmem:v9+s7+$0x0], $0xffff;
	[tilespmem:s15+$0x3B80] =	vst v6  }
0x124: {  	v6 =	vld.idx.msk [tilespmem:v12+s7+$0x0], $0xffff;
	v12 =	vadd.s32 $0xB79, v0;
	[tilespmem:s20+$0x7980] =	vst v8  }
0x125: {  	[tilespmem:s17+$0x2B00] =	vst v14;
	v8 =	vld.idx.msk [tilespmem:v13+s7+$0x0], $0xffff;
	v13 =	vadd.s32 $0x858, v1  }
0x126: {  	v14 =	vld.idx.msk [tilespmem:v15+s7+$0x0], $0xffff;
	[tilespmem:s16+$0x6900] =	vst v10;
	v10 =	vadd.s32 $0x1214, v7  }
0x127: {  	[tilespmem:s18+$0x1A80] =	vst v16;
	v15 =	vadd.s32 $0x537, v3;
	v11 =	vld.idx.msk [tilespmem:v11+s7+$0x0], $0xffff  }
0x128: {  	v16 =	vld.idx.msk [tilespmem:v17+s7+$0x0], $0xffff;
	[tilespmem:s14+$0x5880] =	vst v9;
	v9 =	vadd.s32 $0xEF3, v2  }
0x129: {  	v17 =	vadd.s32 $0x216, v4;
	v12 =	vld.idx.msk [tilespmem:v12+s7+$0x0], $0xffff;
	[tilespmem:s15+$0x3C00] =	vst v6  }
0x12a: {  	v6 =	vld.idx.msk [tilespmem:v13+s7+$0x0], $0xffff;
	v13 =	vadd.s32 $0xBD2, v0;
	[tilespmem:s20+$0x7A00] =	vst v8  }
0x12b: {  	[tilespmem:s17+$0x2B80] =	vst v14;
	v8 =	vld.idx.msk [tilespmem:v10+s7+$0x0], $0xffff;
	v10 =	vadd.s32 $0x8B1, v1  }
0x12c: {  	v14 =	vld.idx.msk [tilespmem:v15+s7+$0x0], $0xffff;
	[tilespmem:s16+$0x6980] =	vst v11;
	v11 =	vadd.s32 $0x126D, v7  }
0x12d: {  	[tilespmem:s18+$0x1B00] =	vst v16;
	v15 =	vadd.s32 $0x590, v3;
	v9 =	vld.idx.msk [tilespmem:v9+s7+$0x0], $0xffff  }
0x12e: {  	v16 =	vld.idx.msk [tilespmem:v17+s7+$0x0], $0xffff;
	[tilespmem:s14+$0x5900] =	vst v12;
	v12 =	vadd.s32 $0xF4C, v2  }
0x12f: {  	v17 =	vadd.s32 $0x26F, v4;
	v13 =	vld.idx.msk [tilespmem:v13+s7+$0x0], $0xffff;
	[tilespmem:s15+$0x4880] =	vst v6  }
0x130: {  	v6 =	vld.idx.msk [tilespmem:v10+s7+$0x0], $0xffff;
	v10 =	vadd.s32 $0xC2B, v0;
	[tilespmem:s20+$0x7A80] =	vst v8  }
0x131: {  	[tilespmem:s17+$0x2C00] =	vst v14;
	v8 =	vld.idx.msk [tilespmem:v11+s7+$0x0], $0xffff;
	v11 =	vadd.s32 $0x90A, v1  }
0x132: {  	v14 =	vld.idx.msk [tilespmem:v15+s7+$0x0], $0xffff;
	[tilespmem:s16+$0x6A00] =	vst v9;
	v9 =	vadd.s32 $0x12C6, v7  }
0x133: {  	[tilespmem:s18+$0x1B80] =	vst v16;
	v15 =	vadd.s32 $0x5E9, v3;
	v12 =	vld.idx.msk [tilespmem:v12+s7+$0x0], $0xffff  }
0x134: {  	v16 =	vld.idx.msk [tilespmem:v17+s7+$0x0], $0xffff;
	[tilespmem:s14+$0x5980] =	vst v13;
	v13 =	vadd.s32 $0xFA5, v2  }
0x135: {  	v17 =	vadd.s32 $0x2C8, v4;
	v10 =	vld.idx.msk [tilespmem:v10+s7+$0x0], $0xffff;
	[tilespmem:s15+$0x4900] =	vst v6  }
0x136: {  	v6 =	vadd.s32 $0xC84, v0;
	v11 =	vld.idx.msk [tilespmem:v11+s7+$0x0], $0xffff;
	[tilespmem:s20+$0x7B00] =	vst v8  }
0x137: {  	s19 =	sor.u32 s28, s26;
	[tilespmem:s17+$0x3880] =	vst v14;
	v8 =	vld.idx.msk [tilespmem:v9+s7+$0x0], $0xffff  }
0x138: {  	s19 =	sor.u32 $0x380, s19;
	v14 =	vadd.s32 $0x963, v1;
	v9 =	vld.idx.msk [tilespmem:v15+s7+$0x0], $0xffff;
	[tilespmem:s16+$0x6A80] =	vst v12  }
0x139: {  	[tilespmem:s19+$0x1880] =	vst v16;
	v12 =	vld.idx.msk [tilespmem:v13+s7+$0x0], $0xffff;
	v13 =	vadd.s32 $0x131F, v7  }
0x13a: {  	v16 =	vadd.s32 $0x642, v3;
	v15 =	vld.idx.msk [tilespmem:v17+s7+$0x0], $0xffff;
	[tilespmem:s14+$0x5A00] =	vst v10  }
0x13b: {  	s21 =	simm.s32 $0x70;
	v18 =	vadd.s32 $0x321, v4;
	v17 =	vld.idx.msk [tilespmem:v6+s7+$0x0], $0xffff  }
0x13c: {  	v10 =	vadd.s32 $0xFFE, v2;
	v6 =	vld [tilespmem:s21+$0x0];
	[tilespmem:s15+$0x4980] =	vst v11  }
0x13d: {  	v11 =	vld.idx.msk [tilespmem:v14+s7+$0x0], $0xffff;
	[tilespmem:s20+$0x7B80] =	vst v8  }
0x13e: {  	v14 =	vadd.s32 $0xCDD, v0;
	[tilespmem:s17+$0x3900] =	vst v9;
	v8 =	vld.idx.msk [tilespmem:v13+s7+$0x0], $0xffff  }
0x13f: {  	[tilespmem:s18+$0x2880] =	vst v15;
	v9 =	vld.idx.msk [tilespmem:v16+s7+$0x0], $0xffff;
	v13 =	vadd.s32 $0x9BC, v1  }
0x140: {  	[tilespmem:s16+$0x6B00] =	vst v12;
	v12 =	vadd.s32 $0x1378, v7;
	v15 =	vld.idx.msk [tilespmem:v18+s7+$0x0], $0xffff  }
0x141: {  	v16 =	vadd.s32 $0x69B, v3;
	v10 =	vld.idx.msk [tilespmem:v10+s7+$0x0], $0xffff;
	[tilespmem:s14+$0x5A80] =	vst v17  }
0x142: {  	v18 =	vld.idx.msk [tilespmem:v5+s7+$0x0], $0xffff;
	v17 =	vadd.s32 $0x1057, v2;
	[tilespmem:s15+$0x4A00] =	vst v11  }
0x143: {  	v19 =	vadd.s32 $0x37A, v4;
	v14 =	vld.idx.msk [tilespmem:v14+s7+$0x0], $0xffff;
	[tilespmem:s20+$0x7C00] =	vst v8  }
0x144: {  	s30 =	simm.s32 $0x60;
	s23 =	simm.s32 $0x300;
	v11 =	vld.idx.msk [tilespmem:v13+s7+$0x0], $0xffff;
	v13 =	vadd.s32 $0xD36, v0;
	[tilespmem:s17+$0x3980] =	vst v9  }
0x145: {  	s31 =	sand.u32 $0x70, s30;
	s24 =	sand.u32 $0xC00, s23;
	v8 =	vadd.s32 $0x59, v5;
	[tilespmem:s18+$0x2900] =	vst v15;
	v9 =	vld.idx.msk [tilespmem:v12+s7+$0x0], $0xffff  }
0x146: {  	s19 =	sor.u32 s31, s24;
	v12 =	vld.idx.msk [tilespmem:v16+s7+$0x0], $0xffff;
	v16 =	vadd.s32 $0xA15, v1;
	[tilespmem:s16+$0x6B80] =	vst v10  }
0x147: {  	v15 =	vadd.s32 $0x13D1, v7;
	[tilespmem:s19+$0x1880] =	vst v18;
	v10 =	vld.idx.msk [tilespmem:v17+s7+$0x0], $0xffff  }
0x148: {  	v17 =	vld.idx.msk [tilespmem:v19+s7+$0x0], $0xffff;
	v19 =	vadd.s32 $0x6F4, v3;
	[tilespmem:s14+$0x5B00] =	vst v14  }
0x149: {  	v14 =	vadd.s32 $0x10B0, v2;
	v13 =	vld.idx.msk [tilespmem:v13+s7+$0x0], $0xffff;
	[tilespmem:s15+$0x4A80] =	vst v11  }
0x14a: {  	v18 =	vadd.s32 $0x3D3, v4;
	v8 =	vld.idx.msk [tilespmem:v8+s7+$0x0], $0xffff;
	[tilespmem:s20+$0x8880] =	vst v9  }
0x14b: {  	v11 =	vld.idx.msk [tilespmem:v16+s7+$0x0], $0xffff;
	v16 =	vadd.s32 $0xD8F, v0;
	[tilespmem:s17+$0x3A00] =	vst v12  }
0x14c: {  	v9 =	vadd.s32 $0xB2, v5;
	v12 =	vld.idx.msk [tilespmem:v15+s7+$0x0], $0xffff;
	[tilespmem:s16+$0x6C00] =	vst v10  }
0x14d: {  	v15 =	vld.idx.msk [tilespmem:v19+s7+$0x0], $0xffff;
	v19 =	vadd.s32 $0xA6E, v1;
	[tilespmem:s18+$0x2980] =	vst v17  }
0x14e: {  	v10 =	vld.idx.msk [tilespmem:v14+s7+$0x0], $0xffff;
	v14 =	vadd.s32 $0x142A, v7;
	[tilespmem:s14+$0x5B80] =	vst v13  }
0x14f: {  	v17 =	vld.idx.msk [tilespmem:v18+s7+$0x0], $0xffff;
	v18 =	vadd.s32 $0x74D, v3;
	[tilespmem:s19+$0x1900] =	vst v8  }
0x150: {  	v13 =	vadd.s32 $0x1109, v2;
	v8 =	vld.idx.msk [tilespmem:v16+s7+$0x0], $0xffff;
	[tilespmem:s15+$0x4B00] =	vst v11  }
0x151: {  	v9 =	vld.idx.msk [tilespmem:v9+s7+$0x0], $0xffff;
	v16 =	vadd.s32 $0x42C, v4;
	[tilespmem:s20+$0x8900] =	vst v12  }
0x152: {  	v11 =	vld.idx.msk [tilespmem:v19+s7+$0x0], $0xffff;
	v19 =	vadd.s32 $0xDE8, v0;
	[tilespmem:s17+$0x3A80] =	vst v15  }
0x153: {  	v12 =	vadd.s32 $0x10B, v5;
	v14 =	vld.idx.msk [tilespmem:v14+s7+$0x0], $0xffff;
	[tilespmem:s16+$0x7880] =	vst v10  }
0x154: {  	v15 =	vld.idx.msk [tilespmem:v18+s7+$0x0], $0xffff;
	v18 =	vadd.s32 $0xAC7, v1;
	[tilespmem:s18+$0x2A00] =	vst v17  }
0x155: {  	v17 =	vadd.s32 $0x7A6, v3;
	v10 =	vld.idx.msk [tilespmem:v13+s7+$0x0], $0xffff;
	[tilespmem:s14+$0x5C00] =	vst v8  }
0x156: {  	v13 =	vadd.s32 $0x1483, v7;
	v16 =	vld.idx.msk [tilespmem:v16+s7+$0x0], $0xffff;
	[tilespmem:s19+$0x1980] =	vst v9  }
0x157: {  	v9 =	vadd.s32 $0x1162, v2;
	v8 =	vld.idx.msk [tilespmem:v19+s7+$0x0], $0xffff;
	[tilespmem:s15+$0x4B80] =	vst v11  }
0x158: {  	v12 =	vld.idx.msk [tilespmem:v12+s7+$0x0], $0xffff;
	v19 =	vadd.s32 $0x485, v4;
	[tilespmem:s20+$0x8980] =	vst v14  }
0x159: {  	v11 =	vld.idx.msk [tilespmem:v18+s7+$0x0], $0xffff;
	v18 =	vadd.s32 $0xE41, v0;
	[tilespmem:s17+$0x3B00] =	vst v15  }
0x15a: {  	v14 =	vadd.s32 $0x164, v5;
	v15 =	vld.idx.msk [tilespmem:v17+s7+$0x0], $0xffff;
	[tilespmem:s16+$0x7900] =	vst v10  }
0x15b: {  	v17 =	vadd.s32 $0xB20, v1;
	v13 =	vld.idx.msk [tilespmem:v13+s7+$0x0], $0xffff;
	[tilespmem:s18+$0x2A80] =	vst v16  }
0x15c: {  	v10 =	vadd.s32 $0x14DC, v7;
	v9 =	vld.idx.msk [tilespmem:v9+s7+$0x0], $0xffff;
	[tilespmem:s14+$0x6880] =	vst v8  }
0x15d: {  	v16 =	vld.idx.msk [tilespmem:v19+s7+$0x0], $0xffff;
	v19 =	vadd.s32 $0x7FF, v3;
	[tilespmem:s19+$0x1A00] =	vst v12  }
0x15e: {  	v12 =	vadd.s32 $0x11BB, v2;
	v8 =	vld.idx.msk [tilespmem:v18+s7+$0x0], $0xffff;
	[tilespmem:s15+$0x4C00] =	vst v11  }
0x15f: {  	v14 =	vld.idx.msk [tilespmem:v14+s7+$0x0], $0xffff;
	v18 =	vadd.s32 $0x4DE, v4;
	[tilespmem:s17+$0x3B80] =	vst v15  }
0x160: {  	v11 =	vld.idx.msk [tilespmem:v17+s7+$0x0], $0xffff;
	v17 =	vadd.s32 $0xE9A, v0;
	[tilespmem:s20+$0x8A00] =	vst v13  }
0x161: {  	v13 =	vadd.s32 $0x1BD, v5;
	v10 =	vld.idx.msk [tilespmem:v10+s7+$0x0], $0xffff;
	[tilespmem:s16+$0x7980] =	vst v9  }
0x162: {  	v15 =	vld.idx.msk [tilespmem:v19+s7+$0x0], $0xffff;
	v19 =	vadd.s32 $0xB79, v1;
	[tilespmem:s18+$0x2B00] =	vst v16  }
0x163: {  	v9 =	vld.idx.msk [tilespmem:v12+s7+$0x0], $0xffff;
	v12 =	vadd.s32 $0x1535, v7;
	[tilespmem:s14+$0x6900] =	vst v8  }
0x164: {  	v16 =	vld.idx.msk [tilespmem:v18+s7+$0x0], $0xffff;
	v18 =	vadd.s32 $0x858, v3;
	[tilespmem:s19+$0x1A80] =	vst v14  }
0x165: {  	v14 =	vadd.s32 $0x1214, v2;
	v8 =	vld.idx.msk [tilespmem:v17+s7+$0x0], $0xffff;
	[tilespmem:s15+$0x5880] =	vst v11  }
0x166: {  	v17 =	vadd.s32 $0x537, v4;
	v13 =	vld.idx.msk [tilespmem:v13+s7+$0x0], $0xffff;
	[tilespmem:s20+$0x8A80] =	vst v10  }
0x167: {  	v10 =	vadd.s32 $0x216, v5;
	v11 =	vld.idx.msk [tilespmem:v19+s7+$0x0], $0xffff;
	[tilespmem:s17+$0x3C00] =	vst v15  }
0x168: {  	v19 =	vadd.s32 $0xEF3, v0;
	v12 =	vld.idx.msk [tilespmem:v12+s7+$0x0], $0xffff;
	[tilespmem:s16+$0x7A00] =	vst v9  }
0x169: {  	v15 =	vld.idx.msk [tilespmem:v18+s7+$0x0], $0xffff;
	v18 =	vadd.s32 $0xBD2, v1;
	[tilespmem:s18+$0x2B80] =	vst v16  }
0x16a: {  	v9 =	vld.idx.msk [tilespmem:v14+s7+$0x0], $0xffff;
	v14 =	vadd.s32 $0x158E, v7;
	[tilespmem:s14+$0x6980] =	vst v8  }
0x16b: {  	v16 =	vld.idx.msk [tilespmem:v17+s7+$0x0], $0xffff;
	v17 =	vadd.s32 $0x8B1, v3;
	[tilespmem:s19+$0x1B00] =	vst v13  }
0x16c: {  	v13 =	vadd.s32 $0x126D, v2;
	v10 =	vld.idx.msk [tilespmem:v10+s7+$0x0], $0xffff;
	[tilespmem:s15+$0x5900] =	vst v11  }
0x16d: {  	v8 =	vld.idx.msk [tilespmem:v19+s7+$0x0], $0xffff;
	v19 =	vadd.s32 $0x590, v4;
	[tilespmem:s20+$0x8B00] =	vst v12  }
0x16e: {  	v11 =	vld.idx.msk [tilespmem:v18+s7+$0x0], $0xffff;
	v18 =	vadd.s32 $0xF4C, v0;
	[tilespmem:s17+$0x4880] =	vst v15  }
0x16f: {  	v12 =	vadd.s32 $0x26F, v5;
	v14 =	vld.idx.msk [tilespmem:v14+s7+$0x0], $0xffff;
	[tilespmem:s16+$0x7A80] =	vst v9  }
0x170: {  	v15 =	vld.idx.msk [tilespmem:v17+s7+$0x0], $0xffff;
	v17 =	vadd.s32 $0xC2B, v1;
	[tilespmem:s18+$0x2C00] =	vst v16  }
0x171: {  	v7 =	vadd.s32 $0x15E7, v7;
	v9 =	vld.idx.msk [tilespmem:v13+s7+$0x0], $0xffff;
	[tilespmem:s19+$0x1B80] =	vst v10  }
0x172: {  	v10 =	vadd.s32 $0x12C6, v2;
	v16 =	vld.idx.msk [tilespmem:v19+s7+$0x0], $0xffff;
	[tilespmem:s14+$0x6A00] =	vst v8  }
0x173: {  	v19 =	vadd.s32 $0x90A, v3;
	v8 =	vld.idx.msk [tilespmem:v18+s7+$0x0], $0xffff  }
0x174: {  	v20 =	vadd.s32 $0x5E9, v4;
	v18 =	vld.idx.msk [tilespmem:v12+s7+$0x0], $0xffff;
	[tilespmem:s15+$0x5980] =	vst v11  }
0x175: {  	[tilespmem:s20+$0x8B80] =	vst v14;
	v23 =	vld.idx.msk [tilespmem:v17+s7+$0x0], $0xffff;
	v17 =	vadd.s32 $0xFA5, v0  }
0x176: {  	v24 =	vadd.s32 $0x2C8, v5;
	v13 =	vld.idx.msk [tilespmem:v7+s7+$0x0], $0xffff;
	[tilespmem:s16+$0x7B00] =	vst v9  }
0x177: {  	v21 =	vadd.s32 $0xC84, v1;
	[tilespmem:s17+$0x4900] =	vst v15;
	v15 =	vld.idx.msk [tilespmem:v10+s7+$0x0], $0xffff  }
0x178: {  	s22 =	sor.u32 s23, s30;
	v14 =	vld.idx.msk [tilespmem:v19+s7+$0x0], $0xffff;
	[tilespmem:s18+$0x3880] =	vst v16  }
0x179: {  	v22 =	vadd.s32 $0x963, v3;
	s22 =	sor.u32 $0x380, s22;
	v12 =	vadd.s32 $0xFFE, v0;
	v11 =	vadd.s32 $0xFFE, v5;
	v16 =	vld.idx.msk [tilespmem:v20+s7+$0x0], $0xffff;
	[tilespmem:s14+$0x6A80] =	vst v8  }
0x17a: {  	s26 =	simm.s32 $0x380;
	s25 =	simm.s32 $0x70;
	v7 =	vadd.s32 $0xFFE, v4;
	v9 =	vadd.s32 $0xFFE, v3;
	[tilespmem:s22+$0x1880] =	vst v18;
	v20 =	vadd.s32 $0x131F, v2;
	v17 =	vld.idx.msk [tilespmem:v17+s7+$0x0], $0xffff  }
0x17b: {  	s23 =	sand.u32 $0x70, s25;
	s24 =	simm.s32 $0x380;
	v10 =	vadd.s32 $0xFFE, v1;
	v19 =	vadd.s32 $0x642, v4;
	v8 =	vadd.s32 $0xFFE, v6;
	s22 =	sor.u32 s26, s25;
	v18 =	vld.idx.msk [tilespmem:v24+s7+$0x0], $0xffff;
	[tilespmem:s15+$0x5A00] =	vst v23  }
.LBB2_2:
0x17c: {  	s25 =	sadd.s32 $0x10, s25;
	s26 =	sadd.s32 $0x80, s26;
	s21 =	sadd.s32 $0x10, s21;
	v21 =	vld.idx.msk [tilespmem:v21+s7+$0x0], $0xffff;
	[tilespmem:s20+$0x8C00] =	vst v13  }
0x17d: {  	v23 =	vadd.s32 $0x321, v5;
	s29 =	sand.u32 $0x70, s25;
	v13 =	vld [tilespmem:s21+$0x0];
	s28 =	sor.u32 s26, s25;
	p0 =	slt.u32 s25, $0x1F0;
	[tilespmem:s17+$0x4980] =	vst v14  }
0x17e: {  	s20 =	smov.u32 s16;
	v14 =	vld.idx.msk [tilespmem:v22+s7+$0x0], $0xffff;
	v22 =	vadd.s32 $0xCDD, v1;
	[tilespmem:s16+$0x7B80] =	vst v15;
	s16 =	smov.u32 s14;
	s14 =	smov.u32 s15  }
0x17f: {  	s15 =	smov.u32 s17;
	s17 =	smov.u32 s18;
	[tilespmem:s18+$0x3900] =	vst v16;
	v15 =	vld.idx.msk [tilespmem:v20+s7+$0x0], $0xffff;
	s18 =	smov.u32 s19  }
0x180: {  	v16 =	vld.idx.msk [tilespmem:v19+s7+$0x0], $0xffff;
	v19 =	vadd.s32 $0x9BC, v3;
	[tilespmem:s16+$0x6B00] =	vst v17  }
0x181: {  	[tilespmem:s18+$0x2880] =	vst v18;
	v17 =	vld.idx.msk [tilespmem:v12+s7+$0x0], $0xffff;
	v18 =	vadd.s32 $0x1378, v2;
	v12 =	vmovc v10;
	v10 =	vmovc v9;
	v9 =	vmov v7;
	v7 =	vmov v11  }
0x182: {  	v11 =	vmov v8;
	v20 =	vld.idx.msk [tilespmem:v23+s7+$0x0], $0xffff;
	v23 =	vadd.s32 $0x69B, v4;
	[tilespmem:s14+$0x5A80] =	vst v21;
	v8 =	vadd.s32 $0xFFE, v13  }
0x183: {  	v21 =	vld.idx.msk [tilespmem:v22+s7+$0x0], $0xffff;
	v22 =	vadd.s32 $0x1057, v0  }
0x184: {  	v25 =	vadd.s32 $0x37A, v5;
	v24 =	vld.idx.msk [tilespmem:v6+s7+$0x0], $0xffff;
	[tilespmem:s15+$0x4A00] =	vst v14  }
0x185: {  	v14 =	vld.idx.msk [tilespmem:v19+s7+$0x0], $0xffff;
	v19 =	vadd.s32 $0xD36, v1;
	[tilespmem:s20+$0x7C00] =	vst v15  }
0x186: {  	v15 =	vadd.s32 $0x59, v6;
	[tilespmem:s17+$0x3980] =	vst v16;
	v16 =	vld.idx.msk [tilespmem:v18+s7+$0x0], $0xffff  }
0x187: {  	v18 =	vld.idx.msk [tilespmem:v23+s7+$0x0], $0xffff;
	v23 =	vadd.s32 $0xA15, v3;
	[tilespmem:s16+$0x6B80] =	vst v17  }
0x188: {  	s19 =	sand.u32 $0xC00, s24;
	s24 =	smov.u32 s26;
	[tilespmem:s18+$0x2900] =	vst v20;
	v17 =	vld.idx.msk [tilespmem:v22+s7+$0x0], $0xffff;
	v20 =	vadd.s32 $0x13D1, v2  }
0x189: {  	s19 =	sor.u32 s23, s19;
	s23 =	smov.u32 s29;
	v22 =	vld.idx.msk [tilespmem:v25+s7+$0x0], $0xffff;
	v25 =	vadd.s32 $0x6F4, v4;
	[tilespmem:s14+$0x5B00] =	vst v21  }
0x18a: {  	v21 =	vadd.s32 $0x10B0, v0;
	[tilespmem:s19+$0x1880] =	vst v24;
	v19 =	vld.idx.msk [tilespmem:v19+s7+$0x0], $0xffff  }
0x18b: {  	v24 =	vadd.s32 $0x3D3, v5;
	v15 =	vld.idx.msk [tilespmem:v15+s7+$0x0], $0xffff;
	[tilespmem:s15+$0x4A80] =	vst v14  }
0x18c: {  	v14 =	vld.idx.msk [tilespmem:v23+s7+$0x0], $0xffff;
	v23 =	vadd.s32 $0xD8F, v1;
	[tilespmem:s20+$0x8880] =	vst v16  }
0x18d: {  	v16 =	vadd.s32 $0xB2, v6;
	[tilespmem:s17+$0x3A00] =	vst v18;
	v18 =	vld.idx.msk [tilespmem:v20+s7+$0x0], $0xffff  }
0x18e: {  	v20 =	vld.idx.msk [tilespmem:v25+s7+$0x0], $0xffff;
	v25 =	vadd.s32 $0xA6E, v3;
	[tilespmem:s16+$0x6C00] =	vst v17  }
0x18f: {  	[tilespmem:s18+$0x2980] =	vst v22;
	v17 =	vld.idx.msk [tilespmem:v21+s7+$0x0], $0xffff;
	v21 =	vadd.s32 $0x142A, v2  }
0x190: {  	v22 =	vld.idx.msk [tilespmem:v24+s7+$0x0], $0xffff;
	v24 =	vadd.s32 $0x74D, v4;
	[tilespmem:s14+$0x5B80] =	vst v19  }
0x191: {  	v19 =	vadd.s32 $0x1109, v0;
	[tilespmem:s19+$0x1900] =	vst v15;
	v15 =	vld.idx.msk [tilespmem:v23+s7+$0x0], $0xffff  }
0x192: {  	v23 =	vadd.s32 $0x42C, v5;
	v16 =	vld.idx.msk [tilespmem:v16+s7+$0x0], $0xffff;
	[tilespmem:s15+$0x4B00] =	vst v14  }
0x193: {  	v14 =	vld.idx.msk [tilespmem:v25+s7+$0x0], $0xffff;
	v25 =	vadd.s32 $0xDE8, v1;
	[tilespmem:s20+$0x8900] =	vst v18  }
0x194: {  	v18 =	vadd.s32 $0x10B, v6;
	[tilespmem:s17+$0x3A80] =	vst v20;
	v20 =	vld.idx.msk [tilespmem:v21+s7+$0x0], $0xffff  }
0x195: {  	v21 =	vld.idx.msk [tilespmem:v24+s7+$0x0], $0xffff;
	v24 =	vadd.s32 $0xAC7, v3;
	[tilespmem:s16+$0x7880] =	vst v17  }
0x196: {  	[tilespmem:s18+$0x2A00] =	vst v22;
	v17 =	vld.idx.msk [tilespmem:v19+s7+$0x0], $0xffff;
	v19 =	vadd.s32 $0x1483, v2  }
0x197: {  	v22 =	vld.idx.msk [tilespmem:v23+s7+$0x0], $0xffff;
	v23 =	vadd.s32 $0x7A6, v4;
	[tilespmem:s14+$0x5C00] =	vst v15  }
0x198: {  	[tilespmem:s19+$0x1980] =	vst v16;
	v15 =	vld.idx.msk [tilespmem:v25+s7+$0x0], $0xffff;
	v16 =	vadd.s32 $0x1162, v0  }
0x199: {  	v25 =	vadd.s32 $0x485, v5;
	v18 =	vld.idx.msk [tilespmem:v18+s7+$0x0], $0xffff;
	[tilespmem:s15+$0x4B80] =	vst v14  }
0x19a: {  	v14 =	vld.idx.msk [tilespmem:v24+s7+$0x0], $0xffff;
	v24 =	vadd.s32 $0xE41, v1;
	[tilespmem:s20+$0x8980] =	vst v20  }
0x19b: {  	v20 =	vadd.s32 $0x164, v6;
	[tilespmem:s17+$0x3B00] =	vst v21;
	v19 =	vld.idx.msk [tilespmem:v19+s7+$0x0], $0xffff  }
0x19c: {  	v21 =	vld.idx.msk [tilespmem:v23+s7+$0x0], $0xffff;
	v23 =	vadd.s32 $0xB20, v3;
	[tilespmem:s16+$0x7900] =	vst v17  }
0x19d: {  	v17 =	vadd.s32 $0x14DC, v2;
	[tilespmem:s18+$0x2A80] =	vst v22;
	v16 =	vld.idx.msk [tilespmem:v16+s7+$0x0], $0xffff  }
0x19e: {  	v22 =	vld.idx.msk [tilespmem:v25+s7+$0x0], $0xffff;
	v25 =	vadd.s32 $0x7FF, v4;
	[tilespmem:s14+$0x6880] =	vst v15  }
0x19f: {  	[tilespmem:s19+$0x1A00] =	vst v18;
	v15 =	vld.idx.msk [tilespmem:v24+s7+$0x0], $0xffff;
	v18 =	vadd.s32 $0x11BB, v0  }
0x1a0: {  	v24 =	vadd.s32 $0x4DE, v5;
	v20 =	vld.idx.msk [tilespmem:v20+s7+$0x0], $0xffff;
	[tilespmem:s15+$0x4C00] =	vst v14  }
0x1a1: {  	v14 =	vld.idx.msk [tilespmem:v23+s7+$0x0], $0xffff;
	v23 =	vadd.s32 $0xE9A, v1;
	[tilespmem:s20+$0x8A00] =	vst v19  }
0x1a2: {  	v19 =	vadd.s32 $0x1BD, v6;
	[tilespmem:s17+$0x3B80] =	vst v21;
	v17 =	vld.idx.msk [tilespmem:v17+s7+$0x0], $0xffff  }
0x1a3: {  	v21 =	vld.idx.msk [tilespmem:v25+s7+$0x0], $0xffff;
	v25 =	vadd.s32 $0xB79, v3;
	[tilespmem:s16+$0x7980] =	vst v16  }
0x1a4: {  	[tilespmem:s18+$0x2B00] =	vst v22;
	v16 =	vld.idx.msk [tilespmem:v18+s7+$0x0], $0xffff;
	v18 =	vadd.s32 $0x1535, v2  }
0x1a5: {  	v22 =	vld.idx.msk [tilespmem:v24+s7+$0x0], $0xffff;
	v24 =	vadd.s32 $0x858, v4;
	[tilespmem:s14+$0x6900] =	vst v15  }
0x1a6: {  	[tilespmem:s19+$0x1A80] =	vst v20;
	v15 =	vld.idx.msk [tilespmem:v23+s7+$0x0], $0xffff;
	v20 =	vadd.s32 $0x1214, v0  }
0x1a7: {  	v23 =	vadd.s32 $0x537, v5;
	v19 =	vld.idx.msk [tilespmem:v19+s7+$0x0], $0xffff;
	[tilespmem:s15+$0x5880] =	vst v14  }
0x1a8: {  	v14 =	vld.idx.msk [tilespmem:v25+s7+$0x0], $0xffff;
	v25 =	vadd.s32 $0xEF3, v1;
	[tilespmem:s20+$0x8A80] =	vst v17  }
0x1a9: {  	v17 =	vadd.s32 $0x216, v6;
	[tilespmem:s17+$0x3C00] =	vst v21;
	v18 =	vld.idx.msk [tilespmem:v18+s7+$0x0], $0xffff  }
0x1aa: {  	v21 =	vld.idx.msk [tilespmem:v24+s7+$0x0], $0xffff;
	v24 =	vadd.s32 $0xBD2, v3;
	[tilespmem:s16+$0x7A00] =	vst v16  }
0x1ab: {  	[tilespmem:s18+$0x2B80] =	vst v22;
	v16 =	vld.idx.msk [tilespmem:v20+s7+$0x0], $0xffff;
	v20 =	vadd.s32 $0x158E, v2  }
0x1ac: {  	v22 =	vld.idx.msk [tilespmem:v23+s7+$0x0], $0xffff;
	v23 =	vadd.s32 $0x8B1, v4;
	[tilespmem:s14+$0x6980] =	vst v15  }
0x1ad: {  	[tilespmem:s19+$0x1B00] =	vst v19;
	v15 =	vld.idx.msk [tilespmem:v25+s7+$0x0], $0xffff;
	v19 =	vadd.s32 $0x126D, v0  }
0x1ae: {  	v25 =	vadd.s32 $0x590, v5;
	v17 =	vld.idx.msk [tilespmem:v17+s7+$0x0], $0xffff;
	[tilespmem:s15+$0x5900] =	vst v14  }
0x1af: {  	v14 =	vld.idx.msk [tilespmem:v24+s7+$0x0], $0xffff;
	v24 =	vadd.s32 $0xF4C, v1;
	[tilespmem:s20+$0x8B00] =	vst v18  }
0x1b0: {  	v18 =	vadd.s32 $0x26F, v6;
	[tilespmem:s17+$0x4880] =	vst v21;
	v20 =	vld.idx.msk [tilespmem:v20+s7+$0x0], $0xffff  }
0x1b1: {  	v21 =	vld.idx.msk [tilespmem:v23+s7+$0x0], $0xffff;
	v23 =	vadd.s32 $0xC2B, v3;
	[tilespmem:s16+$0x7A80] =	vst v16  }
0x1b2: {  	[tilespmem:s18+$0x2C00] =	vst v22;
	v16 =	vld.idx.msk [tilespmem:v19+s7+$0x0], $0xffff;
	v19 =	vadd.s32 $0x15E7, v2;
	v2 =	vmovc v0;
	v0 =	vmovc v1;
	v1 =	vmov v3;
	v3 =	vmov v4  }
0x1b3: {  	v4 =	vmovc v5;
	v5 =	vmov v6;
	v6 =	vmov v13;
	v22 =	vld.idx.msk [tilespmem:v25+s7+$0x0], $0xffff;
	v25 =	vadd.s32 $0x90A, v3;
	[tilespmem:s14+$0x6A00] =	vst v15  }
0x1b4: {  	v15 =	vadd.s32 $0x12C6, v2;
	[tilespmem:s19+$0x1B80] =	vst v17;
	v17 =	vld.idx.msk [tilespmem:v24+s7+$0x0], $0xffff  }
0x1b5: {  	v24 =	vadd.s32 $0x5E9, v4;
	v18 =	vld.idx.msk [tilespmem:v18+s7+$0x0], $0xffff;
	[tilespmem:s15+$0x5980] =	vst v14  }
0x1b6: {  	v26 =	vadd.s32 $0xFA5, v0;
	v23 =	vld.idx.msk [tilespmem:v23+s7+$0x0], $0xffff;
	[tilespmem:s20+$0x8B80] =	vst v20  }
0x1b7: {  	v27 =	vadd.s32 $0x2C8, v5;
	[tilespmem:s17+$0x4900] =	vst v21;
	v13 =	vld.idx.msk [tilespmem:v19+s7+$0x0], $0xffff  }
.Ltmp0:
0x1b8: {  	v21 =	vadd.s32 $0xC84, v1;
	v14 =	vld.idx.msk [tilespmem:v25+s7+$0x0], $0xffff;
	[tilespmem:s16+$0x7B00] =	vst v16;
	(pc) =	sbr.rel @p0 .LBB2_2-.Ltmp0, $4  }
0x1b9: {  	[tilespmem:s18+$0x3880] =	vst v22;
	v15 =	vld.idx.msk [tilespmem:v15+s7+$0x0], $0xffff  }
0x1ba: {  	s29 =	sor.u32 $0x380, s22;
	s22 =	smov.u32 s28;
	v22 =	vadd.s32 $0x963, v3;
	v16 =	vld.idx.msk [tilespmem:v24+s7+$0x0], $0xffff;
	[tilespmem:s14+$0x6A80] =	vst v17  }
0x1bb: {  	v20 =	vadd.s32 $0x131F, v2;
	[tilespmem:s29+$0x1880] =	vst v18;
	v17 =	vld.idx.msk [tilespmem:v26+s7+$0x0], $0xffff  }
0x1bc: {  	v19 =	vadd.s32 $0x642, v4;
	v18 =	vld.idx.msk [tilespmem:v27+s7+$0x0], $0xffff;
	[tilespmem:s15+$0x5A00] =	vst v23  }
0x1bd: {  	_ =	sdelay $0x2  }
0x1be: {  	[tilespmem:s20+$0x8C00] =	vst v13  }
0x1bf: {  	v39 =	vld.idx.msk [tilespmem:v21+s7+$0x0], $0xffff;
	v40 =	vadd.s32 $0x321, v5;
	[tilespmem:s17+$0x4980] =	vst v14  }
0x1c0: {  	v22 =	vld.idx.msk [tilespmem:v22+s7+$0x0], $0xffff;
	[tilespmem:s16+$0x7B80] =	vst v15  }
0x1c1: {  	v41 =	vadd.s32 $0xCDD, v1;
	[tilespmem:s18+$0x3900] =	vst v16;
	v15 =	vld.idx.msk [tilespmem:v20+s7+$0x0], $0xffff  }
0x1c2: {  	v42 =	vadd.s32 $0x9BC, v3;
	v16 =	vld.idx.msk [tilespmem:v19+s7+$0x0], $0xffff;
	[tilespmem:s14+$0x6B00] =	vst v17  }
0x1c3: {  	v43 =	vadd.s32 $0x1378, v2;
	[tilespmem:s19+$0x2880] =	vst v18;
	v12 =	vld.idx.msk [tilespmem:v12+s7+$0x0], $0xffff  }
0x1c4: {  	v44 =	vadd.s32 $0x69B, v4;
	v18 =	vld.idx.msk [tilespmem:v40+s7+$0x0], $0xffff;
	[tilespmem:s15+$0x5A80] =	vst v39  }
0x1c5: {  	v45 =	vadd.s32 $0x1057, v0;
	v46 =	vld.idx.msk [tilespmem:v6+s7+$0x0], $0xffff;
	[tilespmem:s17+$0x4A00] =	vst v22  }
0x1c6: {  	v47 =	vadd.s32 $0x59, v6;
	v14 =	vld.idx.msk [tilespmem:v41+s7+$0x0], $0xffff;
	[tilespmem:s16+$0x7C00] =	vst v15  }
0x1c7: {  	v15 =	vld.idx.msk [tilespmem:v42+s7+$0x0], $0xffff;
	[tilespmem:s18+$0x3980] =	vst v16  }
0x1c8: {  	s31 =	sand.u32 $0xC00, s24;
	v13 =	vld.idx.msk [tilespmem:v43+s7+$0x0], $0xffff;
	[tilespmem:s14+$0x6B80] =	vst v12  }
0x1c9: {  	s20 =	sor.u32 s23, s31;
	v16 =	vld.idx.msk [tilespmem:v44+s7+$0x0], $0xffff;
	[tilespmem:s19+$0x2900] =	vst v18  }
0x1ca: {  	v12 =	vld.idx.msk [tilespmem:v45+s7+$0x0], $0xffff;
	[tilespmem:s20+$0x1880] =	vst v46  }
0x1cb: {  	v48 =	vld.idx.msk [tilespmem:v47+s7+$0x0], $0xffff  }
0x1cc: {  	v49 =	vadd.s32 $0xB2, v6;
	_ =	sdelay $0x3  }
0x1cd: {  	[tilespmem:s20+$0x1900] =	vst v48  }
0x1ce: {  	v17 =	vld.idx.msk [tilespmem:v49+s7+$0x0], $0xffff  }
0x1cf: {  	v50 =	vadd.s32 $0x10B, v6;
	_ =	sdelay $0x3  }
0x1d0: {  	[tilespmem:s20+$0x1980] =	vst v17  }
0x1d1: {  	v17 =	vld.idx.msk [tilespmem:v50+s7+$0x0], $0xffff  }
0x1d2: {  	v51 =	vadd.s32 $0x164, v6;
	_ =	sdelay $0x3  }
0x1d3: {  	[tilespmem:s20+$0x1A00] =	vst v17  }
0x1d4: {  	v17 =	vld.idx.msk [tilespmem:v51+s7+$0x0], $0xffff  }
0x1d5: {  	v52 =	vadd.s32 $0x1BD, v6;
	_ =	sdelay $0x3  }
0x1d6: {  	[tilespmem:s20+$0x1A80] =	vst v17  }
0x1d7: {  	v17 =	vld.idx.msk [tilespmem:v52+s7+$0x0], $0xffff  }
0x1d8: {  	v53 =	vadd.s32 $0x216, v6;
	_ =	sdelay $0x3  }
0x1d9: {  	[tilespmem:s20+$0x1B00] =	vst v17  }
0x1da: {  	v17 =	vld.idx.msk [tilespmem:v53+s7+$0x0], $0xffff  }
0x1db: {  	v54 =	vadd.s32 $0x26F, v6;
	_ =	sdelay $0x3  }
0x1dc: {  	[tilespmem:s20+$0x1B80] =	vst v17  }
0x1dd: {  	v17 =	vld.idx.msk [tilespmem:v54+s7+$0x0], $0xffff  }
0x1de: {  	v55 =	vadd.s32 $0x2C8, v6;
	_ =	sdelay $0x2  }
0x1df: {  	s21 =	sor.u32 $0x380, s22  }
0x1e0: {  	[tilespmem:s21+$0x1880] =	vst v17  }
0x1e1: {  	v17 =	vld.idx.msk [tilespmem:v55+s7+$0x0], $0xffff  }
0x1e2: {  	v56 =	vadd.s32 $0x321, v6;
	_ =	sdelay $0x3  }
0x1e3: {  	[tilespmem:s20+$0x2880] =	vst v17  }
0x1e4: {  	v57 =	vadd.s32 $0x37A, v5;
	v18 =	vld.idx.msk [tilespmem:v56+s7+$0x0], $0xffff  }
0x1e5: {  	v58 =	vadd.s32 $0x37A, v6;
	_ =	sdelay $0x3  }
0x1e6: {  	v17 =	vld.idx.msk [tilespmem:v57+s7+$0x0], $0xffff;
	[tilespmem:s20+$0x2900] =	vst v18  }
0x1e7: {  	v59 =	vadd.s32 $0x3D3, v5;
	v19 =	vld.idx.msk [tilespmem:v58+s7+$0x0], $0xffff  }
0x1e8: {  	v60 =	vadd.s32 $0x3D3, v6;
	_ =	sdelay $0x2  }
0x1e9: {  	[tilespmem:s19+$0x2980] =	vst v17  }
0x1ea: {  	v17 =	vld.idx.msk [tilespmem:v59+s7+$0x0], $0xffff;
	[tilespmem:s20+$0x2980] =	vst v19  }
0x1eb: {  	v61 =	vadd.s32 $0x42C, v5;
	v19 =	vld.idx.msk [tilespmem:v60+s7+$0x0], $0xffff  }
0x1ec: {  	v62 =	vadd.s32 $0x42C, v6;
	_ =	sdelay $0x2  }
0x1ed: {  	[tilespmem:s19+$0x2A00] =	vst v17  }
0x1ee: {  	v17 =	vld.idx.msk [tilespmem:v61+s7+$0x0], $0xffff;
	[tilespmem:s20+$0x2A00] =	vst v19  }
0x1ef: {  	v63 =	vadd.s32 $0x485, v5;
	v19 =	vld.idx.msk [tilespmem:v62+s7+$0x0], $0xffff  }
0x1f0: {  	v24 =	vadd.s32 $0x485, v6;
	_ =	sdelay $0x2  }
0x1f1: {  	[tilespmem:s19+$0x2A80] =	vst v17  }
0x1f2: {  	v17 =	vld.idx.msk [tilespmem:v63+s7+$0x0], $0xffff;
	[tilespmem:s20+$0x2A80] =	vst v19  }
0x1f3: {  	v25 =	vadd.s32 $0x4DE, v5;
	v19 =	vld.idx.msk [tilespmem:v24+s7+$0x0], $0xffff  }
0x1f4: {  	v26 =	vadd.s32 $0x4DE, v6;
	_ =	sdelay $0x2  }
0x1f5: {  	[tilespmem:s19+$0x2B00] =	vst v17  }
0x1f6: {  	v17 =	vld.idx.msk [tilespmem:v25+s7+$0x0], $0xffff;
	[tilespmem:s20+$0x2B00] =	vst v19  }
0x1f7: {  	v27 =	vadd.s32 $0x537, v5;
	v19 =	vld.idx.msk [tilespmem:v26+s7+$0x0], $0xffff  }
0x1f8: {  	v28 =	vadd.s32 $0x537, v6;
	_ =	sdelay $0x2  }
0x1f9: {  	[tilespmem:s19+$0x2B80] =	vst v17  }
0x1fa: {  	v17 =	vld.idx.msk [tilespmem:v27+s7+$0x0], $0xffff;
	[tilespmem:s20+$0x2B80] =	vst v19  }
0x1fb: {  	v29 =	vadd.s32 $0x590, v5;
	v19 =	vld.idx.msk [tilespmem:v28+s7+$0x0], $0xffff  }
0x1fc: {  	v30 =	vadd.s32 $0x590, v6;
	_ =	sdelay $0x2  }
0x1fd: {  	[tilespmem:s19+$0x2C00] =	vst v17  }
0x1fe: {  	v17 =	vld.idx.msk [tilespmem:v29+s7+$0x0], $0xffff;
	[tilespmem:s20+$0x2C00] =	vst v19  }
0x1ff: {  	v31 =	vadd.s32 $0x5E9, v5;
	v19 =	vld.idx.msk [tilespmem:v30+s7+$0x0], $0xffff  }
0x200: {  	v32 =	vadd.s32 $0x5E9, v6;
	_ =	sdelay $0x2  }
0x201: {  	[tilespmem:s19+$0x3880] =	vst v17  }
0x202: {  	v17 =	vld.idx.msk [tilespmem:v31+s7+$0x0], $0xffff;
	[tilespmem:s20+$0x3880] =	vst v19  }
0x203: {  	v33 =	vadd.s32 $0x642, v5;
	v19 =	vld.idx.msk [tilespmem:v32+s7+$0x0], $0xffff  }
0x204: {  	v34 =	vadd.s32 $0x642, v6;
	_ =	sdelay $0x2  }
0x205: {  	[tilespmem:s19+$0x3900] =	vst v17  }
0x206: {  	v17 =	vld.idx.msk [tilespmem:v33+s7+$0x0], $0xffff;
	[tilespmem:s20+$0x3900] =	vst v19  }
0x207: {  	v35 =	vadd.s32 $0x69B, v5;
	v19 =	vld.idx.msk [tilespmem:v34+s7+$0x0], $0xffff  }
0x208: {  	v36 =	vadd.s32 $0x69B, v6;
	_ =	sdelay $0x2  }
0x209: {  	[tilespmem:s19+$0x3980] =	vst v17  }
0x20a: {  	v37 =	vadd.s32 $0x6F4, v4;
	v18 =	vld.idx.msk [tilespmem:v35+s7+$0x0], $0xffff;
	[tilespmem:s20+$0x3980] =	vst v19  }
0x20b: {  	v38 =	vadd.s32 $0x6F4, v5;
	v20 =	vld.idx.msk [tilespmem:v36+s7+$0x0], $0xffff  }
0x20c: {  	v39 =	vadd.s32 $0x6F4, v6;
	_ =	sdelay $0x1  }
0x20d: {  	[tilespmem:s18+$0x3A00] =	vst v16  }
0x20e: {  	v16 =	vld.idx.msk [tilespmem:v37+s7+$0x0], $0xffff;
	[tilespmem:s19+$0x3A00] =	vst v18  }
0x20f: {  	v40 =	vadd.s32 $0x74D, v4;
	v18 =	vld.idx.msk [tilespmem:v38+s7+$0x0], $0xffff;
	[tilespmem:s20+$0x3A00] =	vst v20  }
0x210: {  	v41 =	vadd.s32 $0x74D, v5;
	v20 =	vld.idx.msk [tilespmem:v39+s7+$0x0], $0xffff  }
0x211: {  	v42 =	vadd.s32 $0x74D, v6;
	_ =	sdelay $0x1  }
0x212: {  	[tilespmem:s18+$0x3A80] =	vst v16  }
0x213: {  	v16 =	vld.idx.msk [tilespmem:v40+s7+$0x0], $0xffff;
	[tilespmem:s19+$0x3A80] =	vst v18  }
0x214: {  	v43 =	vadd.s32 $0x7A6, v4;
	v18 =	vld.idx.msk [tilespmem:v41+s7+$0x0], $0xffff;
	[tilespmem:s20+$0x3A80] =	vst v20  }
0x215: {  	v44 =	vadd.s32 $0x7A6, v5;
	v20 =	vld.idx.msk [tilespmem:v42+s7+$0x0], $0xffff  }
0x216: {  	v45 =	vadd.s32 $0x7A6, v6;
	_ =	sdelay $0x1  }
0x217: {  	[tilespmem:s18+$0x3B00] =	vst v16  }
0x218: {  	v16 =	vld.idx.msk [tilespmem:v43+s7+$0x0], $0xffff;
	[tilespmem:s19+$0x3B00] =	vst v18  }
0x219: {  	v46 =	vadd.s32 $0x7FF, v4;
	v18 =	vld.idx.msk [tilespmem:v44+s7+$0x0], $0xffff;
	[tilespmem:s20+$0x3B00] =	vst v20  }
0x21a: {  	v47 =	vadd.s32 $0x7FF, v5;
	v20 =	vld.idx.msk [tilespmem:v45+s7+$0x0], $0xffff  }
0x21b: {  	v48 =	vadd.s32 $0x7FF, v6;
	_ =	sdelay $0x1  }
0x21c: {  	[tilespmem:s18+$0x3B80] =	vst v16  }
0x21d: {  	v16 =	vld.idx.msk [tilespmem:v46+s7+$0x0], $0xffff;
	[tilespmem:s19+$0x3B80] =	vst v18  }
0x21e: {  	v49 =	vadd.s32 $0x858, v4;
	v18 =	vld.idx.msk [tilespmem:v47+s7+$0x0], $0xffff;
	[tilespmem:s20+$0x3B80] =	vst v20  }
0x21f: {  	v50 =	vadd.s32 $0x858, v5;
	v20 =	vld.idx.msk [tilespmem:v48+s7+$0x0], $0xffff  }
0x220: {  	v51 =	vadd.s32 $0x858, v6;
	_ =	sdelay $0x1  }
0x221: {  	[tilespmem:s18+$0x3C00] =	vst v16  }
0x222: {  	v16 =	vld.idx.msk [tilespmem:v49+s7+$0x0], $0xffff;
	[tilespmem:s19+$0x3C00] =	vst v18  }
0x223: {  	v52 =	vadd.s32 $0x8B1, v4;
	v18 =	vld.idx.msk [tilespmem:v50+s7+$0x0], $0xffff;
	[tilespmem:s20+$0x3C00] =	vst v20  }
0x224: {  	v53 =	vadd.s32 $0x8B1, v5;
	v20 =	vld.idx.msk [tilespmem:v51+s7+$0x0], $0xffff  }
0x225: {  	v54 =	vadd.s32 $0x8B1, v6;
	_ =	sdelay $0x1  }
0x226: {  	[tilespmem:s18+$0x4880] =	vst v16  }
0x227: {  	v16 =	vld.idx.msk [tilespmem:v52+s7+$0x0], $0xffff;
	[tilespmem:s19+$0x4880] =	vst v18  }
0x228: {  	v55 =	vadd.s32 $0x90A, v4;
	v18 =	vld.idx.msk [tilespmem:v53+s7+$0x0], $0xffff;
	[tilespmem:s20+$0x4880] =	vst v20  }
0x229: {  	v56 =	vadd.s32 $0x90A, v5;
	v20 =	vld.idx.msk [tilespmem:v54+s7+$0x0], $0xffff  }
0x22a: {  	v57 =	vadd.s32 $0x90A, v6;
	_ =	sdelay $0x1  }
0x22b: {  	[tilespmem:s18+$0x4900] =	vst v16  }
0x22c: {  	v16 =	vld.idx.msk [tilespmem:v55+s7+$0x0], $0xffff;
	[tilespmem:s19+$0x4900] =	vst v18  }
0x22d: {  	v58 =	vadd.s32 $0x963, v4;
	v18 =	vld.idx.msk [tilespmem:v56+s7+$0x0], $0xffff;
	[tilespmem:s20+$0x4900] =	vst v20  }
0x22e: {  	v59 =	vadd.s32 $0x963, v5;
	v20 =	vld.idx.msk [tilespmem:v57+s7+$0x0], $0xffff  }
0x22f: {  	v60 =	vadd.s32 $0x963, v6;
	_ =	sdelay $0x1  }
0x230: {  	[tilespmem:s18+$0x4980] =	vst v16  }
0x231: {  	v16 =	vld.idx.msk [tilespmem:v58+s7+$0x0], $0xffff;
	[tilespmem:s19+$0x4980] =	vst v18  }
0x232: {  	v61 =	vadd.s32 $0x9BC, v4;
	v18 =	vld.idx.msk [tilespmem:v59+s7+$0x0], $0xffff;
	[tilespmem:s20+$0x4980] =	vst v20  }
0x233: {  	v62 =	vadd.s32 $0x9BC, v5;
	v20 =	vld.idx.msk [tilespmem:v60+s7+$0x0], $0xffff  }
0x234: {  	v63 =	vadd.s32 $0x9BC, v6;
	_ =	sdelay $0x1  }
0x235: {  	[tilespmem:s18+$0x4A00] =	vst v16  }
0x236: {  	v24 =	vadd.s32 $0xA15, v3;
	v17 =	vld.idx.msk [tilespmem:v61+s7+$0x0], $0xffff;
	[tilespmem:s19+$0x4A00] =	vst v18  }
0x237: {  	v25 =	vadd.s32 $0xA15, v4;
	v19 =	vld.idx.msk [tilespmem:v62+s7+$0x0], $0xffff;
	[tilespmem:s20+$0x4A00] =	vst v20  }
0x238: {  	v26 =	vadd.s32 $0xA15, v5;
	v21 =	vld.idx.msk [tilespmem:v63+s7+$0x0], $0xffff  }
0x239: {  	v27 =	vadd.s32 $0xA15, v6  }
0x23a: {  	[tilespmem:s17+$0x4A80] =	vst v15  }
0x23b: {  	v15 =	vld.idx.msk [tilespmem:v24+s7+$0x0], $0xffff;
	[tilespmem:s18+$0x4A80] =	vst v17  }
0x23c: {  	v28 =	vadd.s32 $0xA6E, v3;
	v17 =	vld.idx.msk [tilespmem:v25+s7+$0x0], $0xffff;
	[tilespmem:s19+$0x4A80] =	vst v19  }
0x23d: {  	v29 =	vadd.s32 $0xA6E, v4;
	v19 =	vld.idx.msk [tilespmem:v26+s7+$0x0], $0xffff;
	[tilespmem:s20+$0x4A80] =	vst v21  }
0x23e: {  	v30 =	vadd.s32 $0xA6E, v5;
	v21 =	vld.idx.msk [tilespmem:v27+s7+$0x0], $0xffff  }
0x23f: {  	v31 =	vadd.s32 $0xA6E, v6  }
0x240: {  	[tilespmem:s17+$0x4B00] =	vst v15  }
0x241: {  	v15 =	vld.idx.msk [tilespmem:v28+s7+$0x0], $0xffff;
	[tilespmem:s18+$0x4B00] =	vst v17  }
0x242: {  	v32 =	vadd.s32 $0xAC7, v3;
	v17 =	vld.idx.msk [tilespmem:v29+s7+$0x0], $0xffff;
	[tilespmem:s19+$0x4B00] =	vst v19  }
0x243: {  	v33 =	vadd.s32 $0xAC7, v4;
	v19 =	vld.idx.msk [tilespmem:v30+s7+$0x0], $0xffff;
	[tilespmem:s20+$0x4B00] =	vst v21  }
0x244: {  	v34 =	vadd.s32 $0xAC7, v5;
	v21 =	vld.idx.msk [tilespmem:v31+s7+$0x0], $0xffff  }
0x245: {  	v35 =	vadd.s32 $0xAC7, v6  }
0x246: {  	[tilespmem:s17+$0x4B80] =	vst v15  }
0x247: {  	v15 =	vld.idx.msk [tilespmem:v32+s7+$0x0], $0xffff;
	[tilespmem:s18+$0x4B80] =	vst v17  }
0x248: {  	v36 =	vadd.s32 $0xB20, v3;
	v17 =	vld.idx.msk [tilespmem:v33+s7+$0x0], $0xffff;
	[tilespmem:s19+$0x4B80] =	vst v19  }
0x249: {  	v37 =	vadd.s32 $0xB20, v4;
	v19 =	vld.idx.msk [tilespmem:v34+s7+$0x0], $0xffff;
	[tilespmem:s20+$0x4B80] =	vst v21  }
0x24a: {  	v38 =	vadd.s32 $0xB20, v5;
	v21 =	vld.idx.msk [tilespmem:v35+s7+$0x0], $0xffff  }
0x24b: {  	v39 =	vadd.s32 $0xB20, v6  }
0x24c: {  	[tilespmem:s17+$0x4C00] =	vst v15  }
0x24d: {  	v15 =	vld.idx.msk [tilespmem:v36+s7+$0x0], $0xffff;
	[tilespmem:s18+$0x4C00] =	vst v17  }
0x24e: {  	v40 =	vadd.s32 $0xB79, v3;
	v17 =	vld.idx.msk [tilespmem:v37+s7+$0x0], $0xffff;
	[tilespmem:s19+$0x4C00] =	vst v19  }
0x24f: {  	v41 =	vadd.s32 $0xB79, v4;
	v19 =	vld.idx.msk [tilespmem:v38+s7+$0x0], $0xffff;
	[tilespmem:s20+$0x4C00] =	vst v21  }
0x250: {  	v42 =	vadd.s32 $0xB79, v5;
	v21 =	vld.idx.msk [tilespmem:v39+s7+$0x0], $0xffff  }
0x251: {  	v43 =	vadd.s32 $0xB79, v6  }
0x252: {  	[tilespmem:s17+$0x5880] =	vst v15  }
0x253: {  	v15 =	vld.idx.msk [tilespmem:v40+s7+$0x0], $0xffff;
	[tilespmem:s18+$0x5880] =	vst v17  }
0x254: {  	v44 =	vadd.s32 $0xBD2, v3;
	v17 =	vld.idx.msk [tilespmem:v41+s7+$0x0], $0xffff;
	[tilespmem:s19+$0x5880] =	vst v19  }
0x255: {  	v45 =	vadd.s32 $0xBD2, v4;
	v19 =	vld.idx.msk [tilespmem:v42+s7+$0x0], $0xffff;
	[tilespmem:s20+$0x5880] =	vst v21  }
0x256: {  	v46 =	vadd.s32 $0xBD2, v5;
	v21 =	vld.idx.msk [tilespmem:v43+s7+$0x0], $0xffff  }
0x257: {  	v47 =	vadd.s32 $0xBD2, v6  }
0x258: {  	[tilespmem:s17+$0x5900] =	vst v15  }
0x259: {  	v15 =	vld.idx.msk [tilespmem:v44+s7+$0x0], $0xffff;
	[tilespmem:s18+$0x5900] =	vst v17  }
0x25a: {  	v48 =	vadd.s32 $0xC2B, v3;
	v17 =	vld.idx.msk [tilespmem:v45+s7+$0x0], $0xffff;
	[tilespmem:s19+$0x5900] =	vst v19  }
0x25b: {  	v49 =	vadd.s32 $0xC2B, v4;
	v19 =	vld.idx.msk [tilespmem:v46+s7+$0x0], $0xffff;
	[tilespmem:s20+$0x5900] =	vst v21  }
0x25c: {  	v50 =	vadd.s32 $0xC2B, v5;
	v21 =	vld.idx.msk [tilespmem:v47+s7+$0x0], $0xffff  }
0x25d: {  	v51 =	vadd.s32 $0xC2B, v6  }
0x25e: {  	[tilespmem:s17+$0x5980] =	vst v15  }
0x25f: {  	v15 =	vld.idx.msk [tilespmem:v48+s7+$0x0], $0xffff;
	[tilespmem:s18+$0x5980] =	vst v17  }
0x260: {  	v52 =	vadd.s32 $0xC84, v3;
	v17 =	vld.idx.msk [tilespmem:v49+s7+$0x0], $0xffff;
	[tilespmem:s19+$0x5980] =	vst v19  }
0x261: {  	v53 =	vadd.s32 $0xC84, v4;
	v19 =	vld.idx.msk [tilespmem:v50+s7+$0x0], $0xffff;
	[tilespmem:s20+$0x5980] =	vst v21  }
0x262: {  	v54 =	vadd.s32 $0xC84, v5;
	v21 =	vld.idx.msk [tilespmem:v51+s7+$0x0], $0xffff  }
0x263: {  	v55 =	vadd.s32 $0xC84, v6  }
0x264: {  	[tilespmem:s17+$0x5A00] =	vst v15  }
0x265: {  	v15 =	vld.idx.msk [tilespmem:v52+s7+$0x0], $0xffff;
	[tilespmem:s18+$0x5A00] =	vst v17  }
0x266: {  	v56 =	vadd.s32 $0xCDD, v3;
	v17 =	vld.idx.msk [tilespmem:v53+s7+$0x0], $0xffff;
	[tilespmem:s19+$0x5A00] =	vst v19  }
0x267: {  	v57 =	vadd.s32 $0xCDD, v4;
	v19 =	vld.idx.msk [tilespmem:v54+s7+$0x0], $0xffff;
	[tilespmem:s20+$0x5A00] =	vst v21  }
0x268: {  	v58 =	vadd.s32 $0xCDD, v5;
	v21 =	vld.idx.msk [tilespmem:v55+s7+$0x0], $0xffff  }
0x269: {  	v59 =	vadd.s32 $0xCDD, v6  }
0x26a: {  	[tilespmem:s17+$0x5A80] =	vst v15;
	v60 =	vadd.s32 $0xD36, v1  }
0x26b: {  	v16 =	vld.idx.msk [tilespmem:v56+s7+$0x0], $0xffff;
	[tilespmem:s18+$0x5A80] =	vst v17  }
0x26c: {  	v61 =	vadd.s32 $0xD36, v3;
	v18 =	vld.idx.msk [tilespmem:v57+s7+$0x0], $0xffff;
	[tilespmem:s19+$0x5A80] =	vst v19  }
0x26d: {  	v62 =	vadd.s32 $0xD36, v4;
	v20 =	vld.idx.msk [tilespmem:v58+s7+$0x0], $0xffff;
	[tilespmem:s20+$0x5A80] =	vst v21  }
0x26e: {  	[tilespmem:s15+$0x5B00] =	vst v14;
	v63 =	vadd.s32 $0xD36, v5;
	v22 =	vld.idx.msk [tilespmem:v59+s7+$0x0], $0xffff  }
0x26f: {  	v24 =	vadd.s32 $0xD36, v6;
	v15 =	vld.idx.msk [tilespmem:v60+s7+$0x0], $0xffff  }
0x270: {  	v25 =	vadd.s32 $0xD8F, v1;
	[tilespmem:s17+$0x5B00] =	vst v16  }
0x271: {  	v17 =	vld.idx.msk [tilespmem:v61+s7+$0x0], $0xffff;
	[tilespmem:s18+$0x5B00] =	vst v18  }
0x272: {  	v26 =	vadd.s32 $0xD8F, v3;
	v19 =	vld.idx.msk [tilespmem:v62+s7+$0x0], $0xffff;
	[tilespmem:s19+$0x5B00] =	vst v20  }
0x273: {  	v27 =	vadd.s32 $0xD8F, v4;
	v21 =	vld.idx.msk [tilespmem:v63+s7+$0x0], $0xffff;
	[tilespmem:s20+$0x5B00] =	vst v22  }
0x274: {  	v28 =	vadd.s32 $0xD8F, v5;
	[tilespmem:s15+$0x5B80] =	vst v15;
	v14 =	vld.idx.msk [tilespmem:v24+s7+$0x0], $0xffff  }
0x275: {  	v29 =	vadd.s32 $0xD8F, v6;
	v16 =	vld.idx.msk [tilespmem:v25+s7+$0x0], $0xffff  }
0x276: {  	[tilespmem:s17+$0x5B80] =	vst v17;
	v30 =	vadd.s32 $0xDE8, v1  }
0x277: {  	v18 =	vld.idx.msk [tilespmem:v26+s7+$0x0], $0xffff;
	[tilespmem:s18+$0x5B80] =	vst v19  }
0x278: {  	v31 =	vadd.s32 $0xDE8, v3;
	v20 =	vld.idx.msk [tilespmem:v27+s7+$0x0], $0xffff;
	[tilespmem:s19+$0x5B80] =	vst v21  }
0x279: {  	v32 =	vadd.s32 $0xDE8, v4;
	v22 =	vld.idx.msk [tilespmem:v28+s7+$0x0], $0xffff;
	[tilespmem:s20+$0x5B80] =	vst v14  }
0x27a: {  	v33 =	vadd.s32 $0xDE8, v5;
	[tilespmem:s15+$0x5C00] =	vst v16;
	v14 =	vld.idx.msk [tilespmem:v29+s7+$0x0], $0xffff  }
0x27b: {  	[tilespmem:s16+$0x8880] =	vst v13;
	v34 =	vadd.s32 $0xDE8, v6;
	v17 =	vld.idx.msk [tilespmem:v30+s7+$0x0], $0xffff  }
0x27c: {  	v36 =	vadd.s32 $0xE41, v1;
	[tilespmem:s17+$0x5C00] =	vst v18  }
0x27d: {  	v35 =	vadd.s32 $0x13D1, v2;
	v19 =	vld.idx.msk [tilespmem:v31+s7+$0x0], $0xffff;
	[tilespmem:s18+$0x5C00] =	vst v20  }
0x27e: {  	v37 =	vadd.s32 $0xE41, v3;
	v21 =	vld.idx.msk [tilespmem:v32+s7+$0x0], $0xffff;
	[tilespmem:s19+$0x5C00] =	vst v22  }
0x27f: {  	v38 =	vadd.s32 $0xE41, v4;
	v13 =	vld.idx.msk [tilespmem:v33+s7+$0x0], $0xffff;
	[tilespmem:s20+$0x5C00] =	vst v14  }
0x280: {  	[tilespmem:s15+$0x6880] =	vst v17;
	v39 =	vadd.s32 $0xE41, v5;
	v14 =	vld.idx.msk [tilespmem:v34+s7+$0x0], $0xffff  }
0x281: {  	[tilespmem:s14+$0x6C00] =	vst v12;
	v41 =	vadd.s32 $0xE41, v6;
	v18 =	vld.idx.msk [tilespmem:v36+s7+$0x0], $0xffff  }
0x282: {  	v40 =	vld.idx.msk [tilespmem:v35+s7+$0x0], $0xffff;
	v42 =	vadd.s32 $0x10B0, v0;
	[tilespmem:s17+$0x6880] =	vst v19  }
0x283: {  	v43 =	vadd.s32 $0xE9A, v1;
	v20 =	vld.idx.msk [tilespmem:v37+s7+$0x0], $0xffff;
	[tilespmem:s18+$0x6880] =	vst v21  }
0x284: {  	v44 =	vadd.s32 $0xE9A, v3;
	v22 =	vld.idx.msk [tilespmem:v38+s7+$0x0], $0xffff;
	[tilespmem:s19+$0x6880] =	vst v13  }
0x285: {  	v45 =	vadd.s32 $0xE9A, v4;
	v12 =	vld.idx.msk [tilespmem:v39+s7+$0x0], $0xffff;
	[tilespmem:s20+$0x6880] =	vst v14  }
0x286: {  	[tilespmem:s15+$0x6900] =	vst v18;
	v46 =	vadd.s32 $0xE9A, v5;
	v47 =	vld.idx.msk [tilespmem:v41+s7+$0x0], $0xffff  }
0x287: {  	v49 =	vadd.s32 $0xE9A, v6;
	[tilespmem:s16+$0x8900] =	vst v40;
	v48 =	vld.idx.msk [tilespmem:v42+s7+$0x0], $0xffff  }
0x288: {  	v50 =	vadd.s32 $0x142A, v2;
	v19 =	vld.idx.msk [tilespmem:v43+s7+$0x0], $0xffff;
	[tilespmem:s17+$0x6900] =	vst v20  }
0x289: {  	v51 =	vadd.s32 $0xEF3, v1;
	v21 =	vld.idx.msk [tilespmem:v44+s7+$0x0], $0xffff;
	[tilespmem:s18+$0x6900] =	vst v22  }
0x28a: {  	v52 =	vadd.s32 $0xEF3, v3;
	v13 =	vld.idx.msk [tilespmem:v45+s7+$0x0], $0xffff;
	[tilespmem:s19+$0x6900] =	vst v12  }
0x28b: {  	v53 =	vadd.s32 $0xEF3, v4;
	v14 =	vld.idx.msk [tilespmem:v46+s7+$0x0], $0xffff;
	[tilespmem:s20+$0x6900] =	vst v47  }
0x28c: {  	[tilespmem:s14+$0x7880] =	vst v48;
	v54 =	vadd.s32 $0xEF3, v5;
	v55 =	vld.idx.msk [tilespmem:v49+s7+$0x0], $0xffff  }
0x28d: {  	v57 =	vadd.s32 $0xEF3, v6;
	v56 =	vld.idx.msk [tilespmem:v50+s7+$0x0], $0xffff;
	[tilespmem:s15+$0x6980] =	vst v19  }
0x28e: {  	v26 =	vadd.s32 $0x1483, v2;
	v20 =	vld.idx.msk [tilespmem:v51+s7+$0x0], $0xffff;
	[tilespmem:s17+$0x6980] =	vst v21  }
0x28f: {  	v59 =	vadd.s32 $0xF4C, v1;
	v22 =	vld.idx.msk [tilespmem:v52+s7+$0x0], $0xffff;
	[tilespmem:s18+$0x6980] =	vst v13  }
0x290: {  	v60 =	vadd.s32 $0xF4C, v3;
	v12 =	vld.idx.msk [tilespmem:v53+s7+$0x0], $0xffff;
	[tilespmem:s19+$0x6980] =	vst v14  }
0x291: {  	v61 =	vadd.s32 $0xF4C, v4;
	v15 =	vld.idx.msk [tilespmem:v54+s7+$0x0], $0xffff;
	[tilespmem:s20+$0x6980] =	vst v55  }
0x292: {  	[tilespmem:s16+$0x8980] =	vst v56;
	v62 =	vadd.s32 $0xF4C, v5;
	v63 =	vld.idx.msk [tilespmem:v57+s7+$0x0], $0xffff  }
0x293: {  	v25 =	vadd.s32 $0xF4C, v6;
	v32 =	vld.idx.msk [tilespmem:v26+s7+$0x0], $0xffff;
	[tilespmem:s15+$0x6A00] =	vst v20  }
0x294: {  	v58 =	vadd.s32 $0x1109, v0;
	v21 =	vld.idx.msk [tilespmem:v59+s7+$0x0], $0xffff;
	[tilespmem:s17+$0x6A00] =	vst v22  }
0x295: {  	v27 =	vadd.s32 $0xFA5, v1;
	v13 =	vld.idx.msk [tilespmem:v60+s7+$0x0], $0xffff;
	[tilespmem:s18+$0x6A00] =	vst v12  }
0x296: {  	v28 =	vadd.s32 $0xFA5, v3;
	v14 =	vld.idx.msk [tilespmem:v61+s7+$0x0], $0xffff;
	[tilespmem:s19+$0x6A00] =	vst v15  }
0x297: {  	v29 =	vadd.s32 $0xFA5, v4;
	v16 =	vld.idx.msk [tilespmem:v62+s7+$0x0], $0xffff;
	[tilespmem:s20+$0x6A00] =	vst v63  }
0x298: {  	v30 =	vadd.s32 $0xFA5, v5;
	[tilespmem:s16+$0x8A00] =	vst v32;
	v31 =	vld.idx.msk [tilespmem:v25+s7+$0x0], $0xffff  }
0x299: {  	v24 =	vld.idx.msk [tilespmem:v58+s7+$0x0], $0xffff;
	v33 =	vadd.s32 $0xFA5, v6;
	[tilespmem:s15+$0x6A80] =	vst v21  }
0x29a: {  	v39 =	vadd.s32 $0x14DC, v2;
	v22 =	vld.idx.msk [tilespmem:v27+s7+$0x0], $0xffff;
	[tilespmem:s17+$0x6A80] =	vst v13  }
0x29b: {  	v12 =	vld.idx.msk [tilespmem:v28+s7+$0x0], $0xffff;
	[tilespmem:s18+$0x6A80] =	vst v14  }
0x29c: {  	v35 =	vld.idx.msk [tilespmem:v29+s7+$0x0], $0xffff;
	[tilespmem:s19+$0x6A80] =	vst v16  }
0x29d: {  	v36 =	vld.idx.msk [tilespmem:v30+s7+$0x0], $0xffff;
	[tilespmem:s20+$0x6A80] =	vst v31  }
0x29e: {  	[tilespmem:s14+$0x7900] =	vst v24;
	v37 =	vld.idx.msk [tilespmem:v33+s7+$0x0], $0xffff  }
0x29f: {  	v44 =	vld.idx.msk [tilespmem:v39+s7+$0x0], $0xffff;
	[tilespmem:s15+$0x6B00] =	vst v22  }
0x2a0: {  	v34 =	vadd.s32 $0x1162, v0;
	v10 =	vld.idx.msk [tilespmem:v10+s7+$0x0], $0xffff;
	[tilespmem:s17+$0x6B00] =	vst v12  }
0x2a1: {  	v40 =	vadd.s32 $0x1057, v1;
	v9 =	vld.idx.msk [tilespmem:v9+s7+$0x0], $0xffff;
	[tilespmem:s18+$0x6B00] =	vst v35  }
0x2a2: {  	v41 =	vadd.s32 $0x1057, v3;
	v7 =	vld.idx.msk [tilespmem:v7+s7+$0x0], $0xffff;
	[tilespmem:s19+$0x6B00] =	vst v36  }
0x2a3: {  	v42 =	vadd.s32 $0x1057, v4;
	v11 =	vld.idx.msk [tilespmem:v11+s7+$0x0], $0xffff;
	[tilespmem:s20+$0x6B00] =	vst v37  }
0x2a4: {  	v43 =	vadd.s32 $0x1057, v5;
	[tilespmem:s16+$0x8A80] =	vst v44;
	v8 =	vld.idx.msk [tilespmem:v8+s7+$0x0], $0xffff  }
0x2a5: {  	v45 =	vadd.s32 $0x1057, v6;
	v38 =	vld.idx.msk [tilespmem:v34+s7+$0x0], $0xffff;
	[tilespmem:s15+$0x6B80] =	vst v10  }
0x2a6: {  	v53 =	vadd.s32 $0x1535, v2;
	v12 =	vld.idx.msk [tilespmem:v40+s7+$0x0], $0xffff;
	[tilespmem:s17+$0x6B80] =	vst v9  }
0x2a7: {  	v47 =	vadd.s32 $0x10B0, v1;
	v13 =	vld.idx.msk [tilespmem:v41+s7+$0x0], $0xffff;
	[tilespmem:s18+$0x6B80] =	vst v7  }
0x2a8: {  	v48 =	vadd.s32 $0x10B0, v3;
	v14 =	vld.idx.msk [tilespmem:v42+s7+$0x0], $0xffff;
	[tilespmem:s19+$0x6B80] =	vst v11  }
0x2a9: {  	v49 =	vadd.s32 $0x10B0, v4;
	v15 =	vld.idx.msk [tilespmem:v43+s7+$0x0], $0xffff;
	[tilespmem:s20+$0x6B80] =	vst v8  }
0x2aa: {  	v50 =	vadd.s32 $0x10B0, v5;
	[tilespmem:s14+$0x7980] =	vst v38;
	v10 =	vld.idx.msk [tilespmem:v45+s7+$0x0], $0xffff  }
0x2ab: {  	v52 =	vadd.s32 $0x10B0, v6;
	v58 =	vld.idx.msk [tilespmem:v53+s7+$0x0], $0xffff;
	[tilespmem:s15+$0x6C00] =	vst v12  }
0x2ac: {  	v46 =	vadd.s32 $0x11BB, v0;
	v9 =	vld.idx.msk [tilespmem:v47+s7+$0x0], $0xffff;
	[tilespmem:s17+$0x6C00] =	vst v13  }
0x2ad: {  	v54 =	vadd.s32 $0x1109, v1;
	v7 =	vld.idx.msk [tilespmem:v48+s7+$0x0], $0xffff;
	[tilespmem:s18+$0x6C00] =	vst v14  }
0x2ae: {  	v55 =	vadd.s32 $0x1109, v3;
	v11 =	vld.idx.msk [tilespmem:v49+s7+$0x0], $0xffff;
	[tilespmem:s19+$0x6C00] =	vst v15  }
0x2af: {  	v56 =	vadd.s32 $0x1109, v4;
	v8 =	vld.idx.msk [tilespmem:v50+s7+$0x0], $0xffff;
	[tilespmem:s20+$0x6C00] =	vst v10  }
0x2b0: {  	[tilespmem:s16+$0x8B00] =	vst v58;
	v57 =	vadd.s32 $0x1109, v5;
	v12 =	vld.idx.msk [tilespmem:v52+s7+$0x0], $0xffff  }
0x2b1: {  	v59 =	vadd.s32 $0x1109, v6;
	v51 =	vld.idx.msk [tilespmem:v46+s7+$0x0], $0xffff;
	[tilespmem:s15+$0x7880] =	vst v9  }
0x2b2: {  	v23 =	vadd.s32 $0x158E, v2;
	v13 =	vld.idx.msk [tilespmem:v54+s7+$0x0], $0xffff;
	[tilespmem:s17+$0x7880] =	vst v7  }
0x2b3: {  	v61 =	vadd.s32 $0x1162, v1;
	v14 =	vld.idx.msk [tilespmem:v55+s7+$0x0], $0xffff;
	[tilespmem:s18+$0x7880] =	vst v11  }
0x2b4: {  	v62 =	vadd.s32 $0x1162, v3;
	v15 =	vld.idx.msk [tilespmem:v56+s7+$0x0], $0xffff;
	[tilespmem:s19+$0x7880] =	vst v8  }
0x2b5: {  	v63 =	vadd.s32 $0x1162, v4;
	v10 =	vld.idx.msk [tilespmem:v57+s7+$0x0], $0xffff;
	[tilespmem:s20+$0x7880] =	vst v12  }
0x2b6: {  	v20 =	vadd.s32 $0x1162, v5;
	[tilespmem:s14+$0x7A00] =	vst v51;
	v9 =	vld.idx.msk [tilespmem:v59+s7+$0x0], $0xffff  }
0x2b7: {  	v22 =	vadd.s32 $0x1162, v6;
	v28 =	vld.idx.msk [tilespmem:v23+s7+$0x0], $0xffff;
	[tilespmem:s15+$0x7900] =	vst v13  }
0x2b8: {  	v60 =	vadd.s32 $0x1214, v0;
	v7 =	vld.idx.msk [tilespmem:v61+s7+$0x0], $0xffff;
	[tilespmem:s17+$0x7900] =	vst v14  }
0x2b9: {  	v24 =	vadd.s32 $0x11BB, v1;
	v11 =	vld.idx.msk [tilespmem:v62+s7+$0x0], $0xffff;
	[tilespmem:s18+$0x7900] =	vst v15  }
0x2ba: {  	v25 =	vadd.s32 $0x11BB, v3;
	v8 =	vld.idx.msk [tilespmem:v63+s7+$0x0], $0xffff;
	[tilespmem:s19+$0x7900] =	vst v10  }
0x2bb: {  	v26 =	vadd.s32 $0x11BB, v4;
	v12 =	vld.idx.msk [tilespmem:v20+s7+$0x0], $0xffff;
	[tilespmem:s20+$0x7900] =	vst v9  }
0x2bc: {  	v27 =	vadd.s32 $0x11BB, v5;
	[tilespmem:s16+$0x8B80] =	vst v28;
	v13 =	vld.idx.msk [tilespmem:v22+s7+$0x0], $0xffff  }
0x2bd: {  	v29 =	vadd.s32 $0x11BB, v6;
	v21 =	vld.idx.msk [tilespmem:v60+s7+$0x0], $0xffff;
	[tilespmem:s15+$0x7980] =	vst v7  }
0x2be: {  	v30 =	vadd.s32 $0x126D, v0;
	v14 =	vld.idx.msk [tilespmem:v24+s7+$0x0], $0xffff;
	[tilespmem:s17+$0x7980] =	vst v11  }
0x2bf: {  	v31 =	vadd.s32 $0x1214, v1;
	v15 =	vld.idx.msk [tilespmem:v25+s7+$0x0], $0xffff;
	[tilespmem:s18+$0x7980] =	vst v8  }
0x2c0: {  	v32 =	vadd.s32 $0x1214, v3;
	v10 =	vld.idx.msk [tilespmem:v26+s7+$0x0], $0xffff;
	[tilespmem:s19+$0x7980] =	vst v12  }
0x2c1: {  	v33 =	vadd.s32 $0x1214, v4;
	v9 =	vld.idx.msk [tilespmem:v27+s7+$0x0], $0xffff;
	[tilespmem:s20+$0x7980] =	vst v13  }
0x2c2: {  	v34 =	vadd.s32 $0x1214, v5;
	[tilespmem:s14+$0x7A80] =	vst v21;
	v7 =	vld.idx.msk [tilespmem:v29+s7+$0x0], $0xffff  }
0x2c3: {  	v35 =	vld.idx.msk [tilespmem:v30+s7+$0x0], $0xffff;
	v36 =	vadd.s32 $0x1214, v6;
	[tilespmem:s15+$0x7A00] =	vst v14  }
0x2c4: {  	v37 =	vadd.s32 $0x15E7, v2;
	v11 =	vld.idx.msk [tilespmem:v31+s7+$0x0], $0xffff;
	[tilespmem:s17+$0x7A00] =	vst v15  }
0x2c5: {  	v38 =	vadd.s32 $0x126D, v1;
	v8 =	vld.idx.msk [tilespmem:v32+s7+$0x0], $0xffff;
	[tilespmem:s18+$0x7A00] =	vst v10  }
0x2c6: {  	v39 =	vadd.s32 $0x126D, v3;
	v12 =	vld.idx.msk [tilespmem:v33+s7+$0x0], $0xffff;
	[tilespmem:s19+$0x7A00] =	vst v9  }
0x2c7: {  	v40 =	vadd.s32 $0x126D, v4;
	v13 =	vld.idx.msk [tilespmem:v34+s7+$0x0], $0xffff;
	[tilespmem:s20+$0x7A00] =	vst v7  }
0x2c8: {  	v41 =	vadd.s32 $0x126D, v5;
	[tilespmem:s14+$0x7B00] =	vst v35;
	v14 =	vld.idx.msk [tilespmem:v36+s7+$0x0], $0xffff  }
0x2c9: {  	v42 =	vadd.s32 $0x126D, v6;
	v2 =	vld.idx.msk [tilespmem:v37+s7+$0x0], $0xffff;
	[tilespmem:s15+$0x7A80] =	vst v11  }
0x2ca: {  	v43 =	vadd.s32 $0x12C6, v0;
	v15 =	vld.idx.msk [tilespmem:v38+s7+$0x0], $0xffff;
	[tilespmem:s17+$0x7A80] =	vst v8  }
0x2cb: {  	v44 =	vadd.s32 $0x12C6, v1;
	v10 =	vld.idx.msk [tilespmem:v39+s7+$0x0], $0xffff;
	[tilespmem:s18+$0x7A80] =	vst v12  }
0x2cc: {  	v45 =	vadd.s32 $0x12C6, v3;
	v9 =	vld.idx.msk [tilespmem:v40+s7+$0x0], $0xffff;
	[tilespmem:s19+$0x7A80] =	vst v13  }
0x2cd: {  	v46 =	vadd.s32 $0x12C6, v4;
	v7 =	vld.idx.msk [tilespmem:v41+s7+$0x0], $0xffff;
	[tilespmem:s20+$0x7A80] =	vst v14  }
0x2ce: {  	v47 =	vadd.s32 $0x12C6, v5;
	[tilespmem:s16+$0x8C00] =	vst v2;
	v11 =	vld.idx.msk [tilespmem:v42+s7+$0x0], $0xffff  }
0x2cf: {  	v49 =	vadd.s32 $0x12C6, v6;
	v48 =	vld.idx.msk [tilespmem:v43+s7+$0x0], $0xffff;
	[tilespmem:s15+$0x7B00] =	vst v15  }
0x2d0: {  	v50 =	vadd.s32 $0x131F, v0;
	v8 =	vld.idx.msk [tilespmem:v44+s7+$0x0], $0xffff;
	[tilespmem:s17+$0x7B00] =	vst v10  }
0x2d1: {  	v51 =	vadd.s32 $0x131F, v1;
	v12 =	vld.idx.msk [tilespmem:v45+s7+$0x0], $0xffff;
	[tilespmem:s18+$0x7B00] =	vst v9  }
0x2d2: {  	v52 =	vadd.s32 $0x131F, v3;
	v13 =	vld.idx.msk [tilespmem:v46+s7+$0x0], $0xffff;
	[tilespmem:s19+$0x7B00] =	vst v7  }
0x2d3: {  	v53 =	vadd.s32 $0x131F, v4;
	v2 =	vld.idx.msk [tilespmem:v47+s7+$0x0], $0xffff;
	[tilespmem:s20+$0x7B00] =	vst v11  }
0x2d4: {  	v54 =	vadd.s32 $0x131F, v5;
	[tilespmem:s14+$0x7B80] =	vst v48;
	v55 =	vld.idx.msk [tilespmem:v49+s7+$0x0], $0xffff  }
0x2d5: {  	v56 =	vld.idx.msk [tilespmem:v50+s7+$0x0], $0xffff;
	v57 =	vadd.s32 $0x131F, v6;
	[tilespmem:s15+$0x7B80] =	vst v8  }
0x2d6: {  	v58 =	vadd.s32 $0x1378, v0;
	v10 =	vld.idx.msk [tilespmem:v51+s7+$0x0], $0xffff;
	[tilespmem:s17+$0x7B80] =	vst v12  }
0x2d7: {  	v59 =	vadd.s32 $0x1378, v1;
	v9 =	vld.idx.msk [tilespmem:v52+s7+$0x0], $0xffff;
	[tilespmem:s18+$0x7B80] =	vst v13  }
0x2d8: {  	v60 =	vadd.s32 $0x1378, v3;
	v7 =	vld.idx.msk [tilespmem:v53+s7+$0x0], $0xffff;
	[tilespmem:s19+$0x7B80] =	vst v2  }
0x2d9: {  	v61 =	vadd.s32 $0x1378, v4;
	v11 =	vld.idx.msk [tilespmem:v54+s7+$0x0], $0xffff;
	[tilespmem:s20+$0x7B80] =	vst v55  }
0x2da: {  	v62 =	vadd.s32 $0x1378, v5;
	[tilespmem:s14+$0x7C00] =	vst v56;
	v8 =	vld.idx.msk [tilespmem:v57+s7+$0x0], $0xffff  }
0x2db: {  	v63 =	vadd.s32 $0x1378, v6;
	v15 =	vld.idx.msk [tilespmem:v58+s7+$0x0], $0xffff;
	[tilespmem:s15+$0x7C00] =	vst v10  }
0x2dc: {  	v20 =	vadd.s32 $0x13D1, v0;
	v12 =	vld.idx.msk [tilespmem:v59+s7+$0x0], $0xffff;
	[tilespmem:s17+$0x7C00] =	vst v9  }
0x2dd: {  	v21 =	vadd.s32 $0x13D1, v1;
	v13 =	vld.idx.msk [tilespmem:v60+s7+$0x0], $0xffff;
	[tilespmem:s18+$0x7C00] =	vst v7  }
0x2de: {  	v22 =	vadd.s32 $0x13D1, v3;
	v2 =	vld.idx.msk [tilespmem:v61+s7+$0x0], $0xffff;
	[tilespmem:s19+$0x7C00] =	vst v11  }
0x2df: {  	v23 =	vadd.s32 $0x13D1, v4;
	v14 =	vld.idx.msk [tilespmem:v62+s7+$0x0], $0xffff;
	[tilespmem:s20+$0x7C00] =	vst v8  }
0x2e0: {  	v24 =	vadd.s32 $0x13D1, v5;
	[tilespmem:s14+$0x8880] =	vst v15;
	v10 =	vld.idx.msk [tilespmem:v63+s7+$0x0], $0xffff  }
0x2e1: {  	v25 =	vadd.s32 $0x13D1, v6;
	v15 =	vld.idx.msk [tilespmem:v20+s7+$0x0], $0xffff;
	[tilespmem:s15+$0x8880] =	vst v12  }
0x2e2: {  	v26 =	vadd.s32 $0x142A, v0;
	v9 =	vld.idx.msk [tilespmem:v21+s7+$0x0], $0xffff;
	[tilespmem:s17+$0x8880] =	vst v13  }
0x2e3: {  	v27 =	vadd.s32 $0x142A, v1;
	v7 =	vld.idx.msk [tilespmem:v22+s7+$0x0], $0xffff;
	[tilespmem:s18+$0x8880] =	vst v2  }
0x2e4: {  	v28 =	vadd.s32 $0x142A, v3;
	v11 =	vld.idx.msk [tilespmem:v23+s7+$0x0], $0xffff;
	[tilespmem:s19+$0x8880] =	vst v14  }
0x2e5: {  	v29 =	vadd.s32 $0x142A, v4;
	v8 =	vld.idx.msk [tilespmem:v24+s7+$0x0], $0xffff;
	[tilespmem:s20+$0x8880] =	vst v10  }
0x2e6: {  	v30 =	vadd.s32 $0x142A, v5;
	[tilespmem:s14+$0x8900] =	vst v15;
	v12 =	vld.idx.msk [tilespmem:v25+s7+$0x0], $0xffff  }
0x2e7: {  	v31 =	vadd.s32 $0x142A, v6;
	v15 =	vld.idx.msk [tilespmem:v26+s7+$0x0], $0xffff;
	[tilespmem:s15+$0x8900] =	vst v9  }
0x2e8: {  	v32 =	vadd.s32 $0x1483, v0;
	v13 =	vld.idx.msk [tilespmem:v27+s7+$0x0], $0xffff;
	[tilespmem:s17+$0x8900] =	vst v7  }
0x2e9: {  	v33 =	vadd.s32 $0x1483, v1;
	v2 =	vld.idx.msk [tilespmem:v28+s7+$0x0], $0xffff;
	[tilespmem:s18+$0x8900] =	vst v11  }
0x2ea: {  	v34 =	vadd.s32 $0x1483, v3;
	v14 =	vld.idx.msk [tilespmem:v29+s7+$0x0], $0xffff;
	[tilespmem:s19+$0x8900] =	vst v8  }
0x2eb: {  	v35 =	vadd.s32 $0x1483, v4;
	v10 =	vld.idx.msk [tilespmem:v30+s7+$0x0], $0xffff;
	[tilespmem:s20+$0x8900] =	vst v12  }
0x2ec: {  	[tilespmem:s14+$0x8980] =	vst v15;
	v36 =	vadd.s32 $0x1483, v5;
	v9 =	vld.idx.msk [tilespmem:v31+s7+$0x0], $0xffff  }
0x2ed: {  	v37 =	vadd.s32 $0x1483, v6;
	v15 =	vld.idx.msk [tilespmem:v32+s7+$0x0], $0xffff;
	[tilespmem:s15+$0x8980] =	vst v13  }
0x2ee: {  	v38 =	vadd.s32 $0x14DC, v0;
	v7 =	vld.idx.msk [tilespmem:v33+s7+$0x0], $0xffff;
	[tilespmem:s17+$0x8980] =	vst v2  }
0x2ef: {  	v39 =	vadd.s32 $0x14DC, v1;
	v11 =	vld.idx.msk [tilespmem:v34+s7+$0x0], $0xffff;
	[tilespmem:s18+$0x8980] =	vst v14  }
0x2f0: {  	v40 =	vadd.s32 $0x14DC, v3;
	v8 =	vld.idx.msk [tilespmem:v35+s7+$0x0], $0xffff;
	[tilespmem:s19+$0x8980] =	vst v10  }
0x2f1: {  	v41 =	vadd.s32 $0x14DC, v4;
	v12 =	vld.idx.msk [tilespmem:v36+s7+$0x0], $0xffff;
	[tilespmem:s20+$0x8980] =	vst v9  }
0x2f2: {  	[tilespmem:s14+$0x8A00] =	vst v15;
	v42 =	vadd.s32 $0x14DC, v5;
	v13 =	vld.idx.msk [tilespmem:v37+s7+$0x0], $0xffff  }
0x2f3: {  	v43 =	vadd.s32 $0x14DC, v6;
	v15 =	vld.idx.msk [tilespmem:v38+s7+$0x0], $0xffff;
	[tilespmem:s15+$0x8A00] =	vst v7  }
0x2f4: {  	v44 =	vadd.s32 $0x1535, v0;
	v2 =	vld.idx.msk [tilespmem:v39+s7+$0x0], $0xffff;
	[tilespmem:s17+$0x8A00] =	vst v11  }
0x2f5: {  	v45 =	vadd.s32 $0x1535, v1;
	v14 =	vld.idx.msk [tilespmem:v40+s7+$0x0], $0xffff;
	[tilespmem:s18+$0x8A00] =	vst v8  }
0x2f6: {  	v46 =	vadd.s32 $0x1535, v3;
	v10 =	vld.idx.msk [tilespmem:v41+s7+$0x0], $0xffff;
	[tilespmem:s19+$0x8A00] =	vst v12  }
0x2f7: {  	v47 =	vadd.s32 $0x1535, v4;
	v9 =	vld.idx.msk [tilespmem:v42+s7+$0x0], $0xffff;
	[tilespmem:s20+$0x8A00] =	vst v13  }
0x2f8: {  	v48 =	vadd.s32 $0x1535, v5;
	[tilespmem:s14+$0x8A80] =	vst v15;
	v7 =	vld.idx.msk [tilespmem:v43+s7+$0x0], $0xffff  }
0x2f9: {  	v49 =	vadd.s32 $0x1535, v6;
	v15 =	vld.idx.msk [tilespmem:v44+s7+$0x0], $0xffff;
	[tilespmem:s15+$0x8A80] =	vst v2  }
0x2fa: {  	v50 =	vadd.s32 $0x158E, v0;
	v11 =	vld.idx.msk [tilespmem:v45+s7+$0x0], $0xffff;
	[tilespmem:s17+$0x8A80] =	vst v14  }
0x2fb: {  	v51 =	vadd.s32 $0x158E, v1;
	v8 =	vld.idx.msk [tilespmem:v46+s7+$0x0], $0xffff;
	[tilespmem:s18+$0x8A80] =	vst v10  }
0x2fc: {  	v52 =	vadd.s32 $0x158E, v3;
	v12 =	vld.idx.msk [tilespmem:v47+s7+$0x0], $0xffff;
	[tilespmem:s19+$0x8A80] =	vst v9  }
0x2fd: {  	v53 =	vadd.s32 $0x158E, v4;
	v13 =	vld.idx.msk [tilespmem:v48+s7+$0x0], $0xffff;
	[tilespmem:s20+$0x8A80] =	vst v7  }
0x2fe: {  	v54 =	vadd.s32 $0x158E, v5;
	[tilespmem:s14+$0x8B00] =	vst v15;
	v2 =	vld.idx.msk [tilespmem:v49+s7+$0x0], $0xffff  }
0x2ff: {  	v55 =	vadd.s32 $0x158E, v6;
	v15 =	vld.idx.msk [tilespmem:v50+s7+$0x0], $0xffff;
	[tilespmem:s15+$0x8B00] =	vst v11  }
0x300: {  	v56 =	vadd.s32 $0x15E7, v0;
	v14 =	vld.idx.msk [tilespmem:v51+s7+$0x0], $0xffff;
	[tilespmem:s17+$0x8B00] =	vst v8  }
0x301: {  	v57 =	vadd.s32 $0x15E7, v1;
	v8 =	vld.idx.msk [tilespmem:v52+s7+$0x0], $0xffff;
	[tilespmem:s18+$0x8B00] =	vst v12  }
0x302: {  	v58 =	vadd.s32 $0x15E7, v3;
	v9 =	vld.idx.msk [tilespmem:v53+s7+$0x0], $0xffff;
	[tilespmem:s19+$0x8B00] =	vst v13  }
0x303: {  	v59 =	vadd.s32 $0x15E7, v4;
	v7 =	vld.idx.msk [tilespmem:v54+s7+$0x0], $0xffff;
	[tilespmem:s20+$0x8B00] =	vst v2  }
0x304: {  	v60 =	vadd.s32 $0x15E7, v5;
	[tilespmem:s14+$0x8B80] =	vst v15;
	v61 =	vld.idx.msk [tilespmem:v55+s7+$0x0], $0xffff  }
0x305: {  	v62 =	vadd.s32 $0x15E7, v6;
	v0 =	vld.idx.msk [tilespmem:v56+s7+$0x0], $0xffff;
	[tilespmem:s15+$0x8B80] =	vst v14  }
0x306: {  	v1 =	vld.idx.msk [tilespmem:v57+s7+$0x0], $0xffff;
	[tilespmem:s17+$0x8B80] =	vst v8  }
0x307: {  	v3 =	vld.idx.msk [tilespmem:v58+s7+$0x0], $0xffff;
	[tilespmem:s18+$0x8B80] =	vst v9  }
0x308: {  	v4 =	vld.idx.msk [tilespmem:v59+s7+$0x0], $0xffff;
	[tilespmem:s19+$0x8B80] =	vst v7  }
0x309: {  	v2 =	vld.idx.msk [tilespmem:v60+s7+$0x0], $0xffff;
	[tilespmem:s20+$0x8B80] =	vst v61  }
0x30a: {  	[tilespmem:s14+$0x8C00] =	vst v0;
	v63 =	vld.idx.msk [tilespmem:v62+s7+$0x0], $0xffff  }
0x30b: {  	[tilespmem:s15+$0x8C00] =	vst v1  }
0x30c: {  	[tilespmem:s17+$0x8C00] =	vst v3  }
0x30d: {  	s13 =	sadd.s32 $0x1, s13;
	[tilespmem:s18+$0x8C00] =	vst v4  }
0x30e: {  	p0 =	sne.s32 s13, s6;
	[tilespmem:s19+$0x8C00] =	vst v2  }
.Ltmp1:
0x30f: {  	[tilespmem:s20+$0x8C00] =	vst v63;
	(pc) =	sbr.rel @p0 .LBB2_1-.Ltmp1, $4  }
0x310: {  	[hbm4b:s5+s9] =	stream.strided.scatter [tilespmem:s11], [sflag:$0x2], $0x8000, s10, s9, $0x38;
	[tilespmem:$0x9880] =	vst v63  }
0x311: {  	_ =	swait.ge [sflag:s12], $0x8000  }
0x312: {  	[sflag:s12] =	ssyncset.done $0x0  }
0x313: {  	[sflag:s12] =	ssyncadd.s32 $0xFFFF8000  }
0x314: {  	_ =	sfence.sel $0x180000  }
0x315: {  	[bflag:$0x0] =	sbarrier.arrive $0xFFFF  }
0x316: {  	p0 =	sne.s32 s1, $0x0;
	_ =	strace $0x90000047  }
0x317: {  	s0 =	sadd.s32 @!p0 $0x100000, s0;
	[bflag:$0x2] =	sbarrier.arrive $0xFFFF  }
0x318: {  	[sflag:s0] =	ssyncadd.tile.s32 @!p0 $0x1;
	_ =	shalt  }
.Lfunc_end2:
_tile_overlayer_lowered:
.L_overlay_start_2:
0x319: {  	(tag) =	ssettag $0x2  }
0x31a: {  	s0 =	rddreg [dreg:$0x0];
	s2 =	stileid.u32  }
0x31b: {  	s1 =	rddreg [dreg:$0x1];
	p0 =	sne.s32 s2, $0x0  }
0x31c: {  	s3 =	rddreg [dreg:$0x2];
	[bflag:$0x3] =	sbarrier.arrive $0xFFFF;
	s2 =	simm.s32 @!p0 $0x1C03  }
0x31d: {  	[timem:s3], [sflag:s2] =	dma.local @!p0 [hbm:s0], s1  }
0x31e: {  	s0 =	simm.s32 @!p0 $0x3  }
0x31f: {  	_ =	swait.ge @!p0 [sflag:s0], s1  }
0x320: {  	s1 =	ssub.s32 @!p0 $0x0, s1;
	[sflag:s0] =	ssyncset.done @!p0 $0x0  }
0x321: {  	[sflag:s0] =	ssyncadd.s32 @!p0 s1  }
0x322: {  	[bflag:$0x3] =	sbarrier.arrive $0xFFFF  }
0x323: {  	_ =	shalt  }

</sc_bundles>
